<compile_context>
chip_gen: v7x
topology: tpu7x:2x2x1
jax: 0.10.2.dev20260603
libtpu: 0.0.44.dev20260713+nightly
codegen_flags: <defaults>
</compile_context>

<pallas_src>
import dataclasses
import functools

import jax
import jax.numpy as jnp
from jax import lax
from jax.experimental import pallas as pl
from jax.experimental.pallas import tpu as pltpu
from jax.experimental.pallas import tpu_sc as plsc

B, N, K, W, D = 32, 256, 32, 100, 128
ALPHA = 0.2
E = N * K
H = K // 2
NH = N * H
CH = 256
NCHUNK = E // CH


def _lrelu(v):
    return jnp.where(v > 0, v, ALPHA * v)


def _prep_body(x_ref, wnT_ref, wn_ref, bn_ref, a2d_ref, idxe_ref, idxo_ref,
               blo_ref, bhi_ref, l_ref, attn_ref):
    x3 = x_ref[...]
    x2 = x3.reshape(B * N, W)
    wx = jnp.dot(x2, wnT_ref[...],
                 preferred_element_type=jnp.float32) + bn_ref[...]
    l_ref[...] = _lrelu(wx)

    waT = jnp.dot(a2d_ref[...], wn_ref[...],
                  preferred_element_type=jnp.float32)
    asum = a2d_ref[0:1, :] + a2d_ref[1:2, :]
    bsum = jnp.sum(bn_ref[...] * asum)
    s1 = jnp.sum(x3 * waT[0:1, :][None], axis=2)
    s2 = jnp.sum(x3 * waT[1:2, :][None], axis=2)
    s12 = jnp.concatenate([s1, s2], axis=1)

    jj = lax.broadcasted_iota(jnp.int32, (2 * N, NH), 0)
    q = ((jj == idxe_ref[...]) |
         (jj == (idxo_ref[...] + N))).astype(jnp.float32)
    e_hi = jnp.dot(s12, q, preferred_element_type=jnp.float32) + bsum
    e_lo = s1 + s2 + bsum

    shift = _lrelu(e_lo)
    lhi = _lrelu(e_hi) + bhi_ref[...]

    bc = (lax.broadcasted_iota(jnp.int32, (N, NH), 1) // H ==
          lax.broadcasted_iota(jnp.int32, (N, NH), 0)).astype(jnp.float32)
    sm = (lax.broadcasted_iota(jnp.int32, (NH, N), 0) // H ==
          lax.broadcasted_iota(jnp.int32, (NH, N), 1)).astype(jnp.float32)

    shift_w = jnp.dot(shift, bc, preferred_element_type=jnp.float32)
    p_hi = jnp.exp(lhi - shift_w)
    exp_blo = jnp.exp(blo_ref[...])
    sum_lo = jnp.dot(exp_blo, sm, preferred_element_type=jnp.float32)
    den = jnp.dot(p_hi, sm, preferred_element_type=jnp.float32) + sum_lo
    den_w = jnp.dot(den, bc, preferred_element_type=jnp.float32)
    alo_v = exp_blo / den_w
    ahi_v = p_hi / den_w
    attn_ref[...] = jnp.concatenate(
        [alo_v.reshape(B, N, H), ahi_v.reshape(B, N, H)], axis=2)


def _sc_body(l_hbm, idx_hbm, attn_hbm, out_hbm,
             ltile, idxv, attv, obuf0, obuf1, osem0, osem1):
    b = lax.axis_index("c") * 16 + lax.axis_index("s")
    pltpu.sync_copy(l_hbm.at[b], ltile)
    pltpu.sync_copy(idx_hbm, idxv.at[pl.ds(0, E)])
    pltpu.sync_copy(attn_hbm.at[b], attv.at[pl.ds(0, E)])

    out2 = out_hbm.at[b]
    osems = (osem0, osem1)
    obufs = (obuf0, obuf1)

    @pl.loop(0, NCHUNK, step=2)
    def _chunks(ci):
        for half in range(2):
            c = ci + half
            ob = obufs[half]

            @pl.when(c >= 2)
            def _():
                pltpu.make_async_copy(
                    ob, out2.at[pl.ds((c - 2) * CH, CH)], osems[half]).wait()

            base = c * CH
            lanes = lax.iota(jnp.int32, 16)

            @plsc.parallel_loop(0, CH, step=1, unroll=8)
            def _edges(e):
                rv = idxv[pl.ds(base + e, 16)]
                av = attv[pl.ds(base + e, 16)]
                rsplat = jnp.broadcast_to(rv[0], (16,))
                asplat = jnp.broadcast_to(av[0], (16,))
                for cg in range(D // 16):
                    v = plsc.load_gather(ltile, [rsplat, lanes + cg * 16])
                    ob[e, pl.ds(cg * 16, 16)] = v * asplat

            pltpu.make_async_copy(
                ob, out2.at[pl.ds(c * CH, CH)], osems[half]).start()

    for half in range(2):
        pltpu.make_async_copy(
            obufs[half],
            out2.at[pl.ds((NCHUNK - 2 + half) * CH, CH)],
            osems[half]).wait()


def kernel(x_n, x_e, edge_indices, all_embeddings, lin_n_w, lin_n_b,
           lin_e_w, lin_e_b, a, bias_n, bias_e):
    idx2d = edge_indices[0].reshape(N, K)
    idx_e = idx2d[:, 0::2].reshape(1, NH)
    idx_o = idx2d[:, 1::2].reshape(1, NH)
    a2d = a.reshape(2, D)
    wnT = lin_n_w.T
    bn = lin_n_b.reshape(1, D)
    blo = bias_n[:, :H].reshape(1, NH)
    bhi = bias_n[:, H:].reshape(1, NH)

    l_flat, attn = pl.pallas_call(
        _prep_body,
        grid=(1,),
        in_specs=[
            pl.BlockSpec((B, N, W), lambda i: (0, 0, 0)),
            pl.BlockSpec((W, D), lambda i: (0, 0)),
            pl.BlockSpec((D, W), lambda i: (0, 0)),
            pl.BlockSpec((1, D), lambda i: (0, 0)),
            pl.BlockSpec((2, D), lambda i: (0, 0)),
            pl.BlockSpec((1, NH), lambda i: (0, 0)),
            pl.BlockSpec((1, NH), lambda i: (0, 0)),
            pl.BlockSpec((1, NH), lambda i: (0, 0)),
            pl.BlockSpec((1, NH), lambda i: (0, 0)),
        ],
        out_specs=[
            pl.BlockSpec((B * N, D), lambda i: (0, 0)),
            pl.BlockSpec((B, N, K), lambda i: (0, 0, 0)),
        ],
        out_shape=[
            jax.ShapeDtypeStruct((B * N, D), jnp.float32),
            jax.ShapeDtypeStruct((B, N, K), jnp.float32),
        ],
    )(x_n, wnT, lin_n_w, bn, a2d, idx_e, idx_o, blo, bhi)

    l3 = l_flat.reshape(B, N, D)
    attn2 = attn.reshape(B, E)
    idx_flat = edge_indices[0].reshape(E)

    cp = pltpu.CompilerParams()
    if "needs_layout_passes" in pltpu.CompilerParams.__dataclass_fields__:
        cp = dataclasses.replace(cp, needs_layout_passes=False)
    sc_kernel = functools.partial(
        pl.kernel,
        out_type=jax.ShapeDtypeStruct((B, E, D), jnp.float32),
        mesh=plsc.VectorSubcoreMesh(core_axis_name="c", subcore_axis_name="s"),
        compiler_params=cp,
        scratch_types=[
            pltpu.VMEM((N, D), jnp.float32),
            pltpu.VMEM((E + 16,), jnp.int32),
            pltpu.VMEM((E + 16,), jnp.float32),
            pltpu.VMEM((CH, D), jnp.float32),
            pltpu.VMEM((CH, D), jnp.float32),
            pltpu.SemaphoreType.DMA,
            pltpu.SemaphoreType.DMA,
        ],
    )(_sc_body)

    out = sc_kernel(l3, idx_flat, attn2)
    return out.reshape(B, N, K, D)

# --- scband reference (transcript-rebuilt; emitter-appended) ---
"""Pipeline reference for scband-feature-attention-layer-89335319757375 (READ-ONLY COPY).

The authoritative reference and input builder live on the scoring server;
editing this copy changes nothing except your own understanding.
"""

import jax, jax.numpy as jnp
import numpy as np

B, N, K, W, D = 32, 256, 32, 100, 128
ALPHA = 0.2


def setup_inputs(seed: int = 0):
    key = jax.random.key(seed)
    ks = jax.random.split(key, 12)
    x_n = jax.random.normal(ks[0], (B, N, W), dtype=jnp.float32)
    x_e = jax.random.normal(ks[1], (N, K), dtype=jnp.float32)
    edge_indices = jax.random.randint(ks[2], (2, N * K), 0, N, dtype=jnp.int32)
    all_embeddings = jax.random.normal(ks[3], (N, D), dtype=jnp.float32)
    lin_n_w = jax.random.normal(ks[4], (D, W), dtype=jnp.float32) / np.sqrt(W)
    lin_n_b = jax.random.normal(ks[5], (D,), dtype=jnp.float32) * 0.01
    lin_e_w = jax.random.normal(ks[6], (D, 1), dtype=jnp.float32)
    lin_e_b = jax.random.normal(ks[7], (D,), dtype=jnp.float32) * 0.01
    a = jax.random.normal(ks[8], (2 * D, 1), dtype=jnp.float32) / np.sqrt(2 * D)
    bias_n = jax.random.normal(ks[9], (N, K), dtype=jnp.float32) * 0.01
    bias_e = jax.random.normal(ks[10], (N, K), dtype=jnp.float32) * 0.01
    return {"x_n": x_n, "x_e": x_e, "edge_indices": edge_indices,
            "all_embeddings": all_embeddings, "lin_n_w": lin_n_w, "lin_n_b": lin_n_b,
            "lin_e_w": lin_e_w, "lin_e_b": lin_e_b, "a": a,
            "bias_n": bias_n, "bias_e": bias_e}


def reference(x_n, x_e, edge_indices, all_embeddings, lin_n_w, lin_n_b, lin_e_w, lin_e_b, a, bias_n, bias_e):
    def lrelu(v):
        return jnp.where(v > 0, v, ALPHA * v)

    # lin_n: window_size -> embed_dim
    Wx_n = jnp.matmul(x_n, lin_n_w.T) + lin_n_b  # [B, N, D]

    idx = edge_indices[0].reshape(N, K)  # [N, K]

    # _make_node_attention_input
    rep = jnp.repeat(Wx_n, K, axis=1).reshape(B, N, K, D)
    alt = Wx_n[:, idx]  # gather -> [B, N, K, D]
    a_input_n = jnp.concatenate([rep, alt], axis=2).reshape(B, N, K, 2 * D)

    # edge features: repeat then lin_e (1 -> D)
    x_e4 = jnp.tile(x_e, (B, 1)).reshape(B, N, K, 1)
    Wx_e = jnp.matmul(x_e4, lin_e_w.T) + lin_e_b  # [B, N, K, D]
    a_input_e = jnp.concatenate([rep, Wx_e], axis=2).reshape(B, N, K, 2 * D)

    e_n = lrelu(jnp.squeeze(jnp.matmul(a_input_n, a), 3))  # [B, N, K]
    e_e = lrelu(jnp.squeeze(jnp.matmul(a_input_e, a), 3))
    e_n = e_n + jnp.nan_to_num(bias_n)
    e_e = e_e + jnp.nan_to_num(bias_e)

    attention_n = jax.nn.softmax(e_n, axis=2)
    attention_e = jax.nn.softmax(e_e, axis=2)
    # dropout: eval mode -> identity

    h_n = lrelu(attention_n[..., None] * Wx_n[:, idx]).reshape(B, N, K, D)
    h_e = lrelu(attention_e * jnp.squeeze(x_e4, 3)).reshape(B, N, K)
    h_e = jnp.matmul(h_e[..., None], lin_e_w.T) + lin_e_b  # [B, N, K, D]
    h_cat = lrelu(jnp.concatenate([h_n, h_e], axis=2))  # computed but unused, as in torch
    del h_cat
    return h_n

if __name__ == "__main__":
    import jax
    _d = setup_inputs()
    print(jax.jit(kernel)(*tuple(_d.values())))

</pallas_src>

<mosaic_0001>
#map = affine_map<(d0, d1) -> (0, 0, 0)>
#map1 = affine_map<(d0, d1) -> (0)>
#map2 = affine_map<(d0, d1) -> (0, 0)>
module attributes {stable_mosaic.version = 14 : i64} {
  func.func @_sc_body(%arg0: i32, %arg1: i32, %arg2: memref<32x256x128xf32, #tpu.memory_space<hbm>>, %arg3: memref<8192xi32, #tpu.memory_space<hbm>>, %arg4: memref<32x8192xf32, #tpu.memory_space<hbm>>, %arg5: memref<32x8192x128xf32, #tpu.memory_space<hbm>>, %arg6: memref<256x128xf32, #tpu.memory_space<vmem>>, %arg7: memref<8208xi32, #tpu.memory_space<vmem>>, %arg8: memref<8208xf32, #tpu.memory_space<vmem>>, %arg9: memref<256x128xf32, #tpu.memory_space<vmem>>, %arg10: memref<256x128xf32, #tpu.memory_space<vmem>>, %arg11: memref<!tpu.dma_semaphore, #tpu.memory_space<semaphore_mem>>, %arg12: memref<!tpu.dma_semaphore, #tpu.memory_space<semaphore_mem>>) attributes {dimension_semantics = [#tpu.dimension_semantics<core_parallel>, #tpu.dimension_semantics<subcore_parallel>], iteration_bounds = array<i64: 2, 16>, scalar_prefetch = 0 : i64, scratch_operands = 7 : i64, tpu.core_type = #tpu.core_type<sc_vector_subcore>, window_params = [{transform_indices = #map}, {transform_indices = #map1}, {transform_indices = #map2}, {transform_indices = #map}]} {
    %mul3A = arith.constant 16 : i32
    %mul3A_0 = arith.muli %arg0, %mul3A : i32
    %add3A = arith.addi %mul3A_0, %arg1 : i32
    "tpu.region"() ({
      %run_scoped3A = tpu.sem_alloc : memref<!tpu.dma_semaphore, #tpu.memory_space<semaphore_mem>>
      %dma_start3A = arith.constant 0 : i32
      %dma_start3A_32 = arith.constant 0 : i32
      %dma_start3A_33 = tpu.memref_slice %arg2[%add3A, %dma_start3A, %dma_start3A_32] : memref<32x256x128xf32, #tpu.memory_space<hbm>> -> memref<1x256x128xf32, #tpu.memory_space<hbm>>
      %dma_start3A_34 = tpu.memref_squeeze %dma_start3A_33 : memref<1x256x128xf32, #tpu.memory_space<hbm>> -> memref<256x128xf32, #tpu.memory_space<hbm>>
      %dma_start3A_35 = arith.constant 0 : i32
      %dma_start3A_36 = arith.constant 0 : i32
      %dma_start3A_37 = tpu.memref_slice %arg2[%add3A, %dma_start3A_35, %dma_start3A_36] : memref<32x256x128xf32, #tpu.memory_space<hbm>> -> memref<1x256x128xf32, #tpu.memory_space<hbm>>
      %dma_start3A_38 = tpu.memref_squeeze %dma_start3A_37 : memref<1x256x128xf32, #tpu.memory_space<hbm>> -> memref<256x128xf32, #tpu.memory_space<hbm>>
      tpu.enqueue_dma source(%dma_start3A_38 : memref<256x128xf32, #tpu.memory_space<hbm>>) target(%arg6 : memref<256x128xf32, #tpu.memory_space<vmem>>) target_semaphore(%run_scoped3A : memref<!tpu.dma_semaphore, #tpu.memory_space<semaphore_mem>>)
      %dma_wait3A_39 = arith.constant 0 : i32
      %dma_wait3A_40 = arith.constant 0 : i32
      %dma_wait3A_41 = tpu.memref_slice %arg2[%add3A, %dma_wait3A_39, %dma_wait3A_40] : memref<32x256x128xf32, #tpu.memory_space<hbm>> -> memref<1x256x128xf32, #tpu.memory_space<hbm>>
      %dma_wait3A_42 = tpu.memref_squeeze %dma_wait3A_41 : memref<1x256x128xf32, #tpu.memory_space<hbm>> -> memref<256x128xf32, #tpu.memory_space<hbm>>
      %dma_wait3A_43 = arith.constant 0 : i32
      %dma_wait3A_44 = arith.constant 0 : i32
      %dma_wait3A_45 = tpu.memref_slice %arg2[%add3A, %dma_wait3A_43, %dma_wait3A_44] : memref<32x256x128xf32, #tpu.memory_space<hbm>> -> memref<1x256x128xf32, #tpu.memory_space<hbm>>
      %dma_wait3A_46 = tpu.memref_squeeze %dma_wait3A_45 : memref<1x256x128xf32, #tpu.memory_space<hbm>> -> memref<256x128xf32, #tpu.memory_space<hbm>>
      tpu.wait_dma2 semaphore(%run_scoped3A : memref<!tpu.dma_semaphore, #tpu.memory_space<semaphore_mem>>) src(%dma_wait3A_46 : memref<256x128xf32, #tpu.memory_space<hbm>>) dst(%arg6 : memref<256x128xf32, #tpu.memory_space<vmem>>)
      tpu.yield
    }) : () -> ()
    "tpu.region"() ({
      %run_scoped3A = tpu.sem_alloc : memref<!tpu.dma_semaphore, #tpu.memory_space<semaphore_mem>>
      %dma_start3A = arith.constant 0 : i32
      %dma_start3A_32 = tpu.memref_slice %arg7[%dma_start3A] : memref<8208xi32, #tpu.memory_space<vmem>> -> memref<8192xi32, #tpu.memory_space<vmem>>
      %dma_start3A_33 = arith.constant 0 : i32
      %dma_start3A_34 = tpu.memref_slice %arg7[%dma_start3A_33] : memref<8208xi32, #tpu.memory_space<vmem>> -> memref<8192xi32, #tpu.memory_space<vmem>>
      tpu.enqueue_dma source(%arg3 : memref<8192xi32, #tpu.memory_space<hbm>>) target(%dma_start3A_34 : memref<8192xi32, #tpu.memory_space<vmem>>) target_semaphore(%run_scoped3A : memref<!tpu.dma_semaphore, #tpu.memory_space<semaphore_mem>>)
      %dma_wait3A_35 = arith.constant 0 : i32
      %dma_wait3A_36 = tpu.memref_slice %arg7[%dma_wait3A_35] : memref<8208xi32, #tpu.memory_space<vmem>> -> memref<8192xi32, #tpu.memory_space<vmem>>
      %dma_wait3A_37 = arith.constant 0 : i32
      %dma_wait3A_38 = tpu.memref_slice %arg7[%dma_wait3A_37] : memref<8208xi32, #tpu.memory_space<vmem>> -> memref<8192xi32, #tpu.memory_space<vmem>>
      tpu.wait_dma2 semaphore(%run_scoped3A : memref<!tpu.dma_semaphore, #tpu.memory_space<semaphore_mem>>) src(%arg3 : memref<8192xi32, #tpu.memory_space<hbm>>) dst(%dma_wait3A_38 : memref<8192xi32, #tpu.memory_space<vmem>>)
      tpu.yield
    }) : () -> ()
    "tpu.region"() ({
      %run_scoped3A = tpu.sem_alloc : memref<!tpu.dma_semaphore, #tpu.memory_space<semaphore_mem>>
      %dma_start3A = arith.constant 0 : i32
      %dma_start3A_32 = tpu.memref_slice %arg8[%dma_start3A] : memref<8208xf32, #tpu.memory_space<vmem>> -> memref<8192xf32, #tpu.memory_space<vmem>>
      %dma_start3A_33 = arith.constant 0 : i32
      %dma_start3A_34 = tpu.memref_slice %arg4[%add3A, %dma_start3A_33] : memref<32x8192xf32, #tpu.memory_space<hbm>> -> memref<1x8192xf32, #tpu.memory_space<hbm>>
      %dma_start3A_35 = tpu.memref_squeeze %dma_start3A_34 : memref<1x8192xf32, #tpu.memory_space<hbm>> -> memref<8192xf32, #tpu.memory_space<hbm>>
      %dma_start3A_36 = arith.constant 0 : i32
      %dma_start3A_37 = tpu.memref_slice %arg8[%dma_start3A_36] : memref<8208xf32, #tpu.memory_space<vmem>> -> memref<8192xf32, #tpu.memory_space<vmem>>
      %dma_start3A_38 = arith.constant 0 : i32
      %dma_start3A_39 = tpu.memref_slice %arg4[%add3A, %dma_start3A_38] : memref<32x8192xf32, #tpu.memory_space<hbm>> -> memref<1x8192xf32, #tpu.memory_space<hbm>>
      %dma_start3A_40 = tpu.memref_squeeze %dma_start3A_39 : memref<1x8192xf32, #tpu.memory_space<hbm>> -> memref<8192xf32, #tpu.memory_space<hbm>>
      tpu.enqueue_dma source(%dma_start3A_40 : memref<8192xf32, #tpu.memory_space<hbm>>) target(%dma_start3A_37 : memref<8192xf32, #tpu.memory_space<vmem>>) target_semaphore(%run_scoped3A : memref<!tpu.dma_semaphore, #tpu.memory_space<semaphore_mem>>)
      %dma_wait3A_41 = arith.constant 0 : i32
      %dma_wait3A_42 = tpu.memref_slice %arg8[%dma_wait3A_41] : memref<8208xf32, #tpu.memory_space<vmem>> -> memref<8192xf32, #tpu.memory_space<vmem>>
      %dma_wait3A_43 = arith.constant 0 : i32
      %dma_wait3A_44 = tpu.memref_slice %arg4[%add3A, %dma_wait3A_43] : memref<32x8192xf32, #tpu.memory_space<hbm>> -> memref<1x8192xf32, #tpu.memory_space<hbm>>
      %dma_wait3A_45 = tpu.memref_squeeze %dma_wait3A_44 : memref<1x8192xf32, #tpu.memory_space<hbm>> -> memref<8192xf32, #tpu.memory_space<hbm>>
      %dma_wait3A_46 = arith.constant 0 : i32
      %dma_wait3A_47 = tpu.memref_slice %arg8[%dma_wait3A_46] : memref<8208xf32, #tpu.memory_space<vmem>> -> memref<8192xf32, #tpu.memory_space<vmem>>
      %dma_wait3A_48 = arith.constant 0 : i32
      %dma_wait3A_49 = tpu.memref_slice %arg4[%add3A, %dma_wait3A_48] : memref<32x8192xf32, #tpu.memory_space<hbm>> -> memref<1x8192xf32, #tpu.memory_space<hbm>>
      %dma_wait3A_50 = tpu.memref_squeeze %dma_wait3A_49 : memref<1x8192xf32, #tpu.memory_space<hbm>> -> memref<8192xf32, #tpu.memory_space<hbm>>
      tpu.wait_dma2 semaphore(%run_scoped3A : memref<!tpu.dma_semaphore, #tpu.memory_space<semaphore_mem>>) src(%dma_wait3A_50 : memref<8192xf32, #tpu.memory_space<hbm>>) dst(%dma_wait3A_47 : memref<8192xf32, #tpu.memory_space<vmem>>)
      tpu.yield
    }) : () -> ()
    %scan3A = arith.constant 0 : i32
    %scan3A_1 = arith.constant 16 : i32
    %scan3A_2 = arith.addi %scan3A, %scan3A_1 : i32
    %scan3A_3 = arith.constant 1 : i32
    scf.for %scan3A_32 = %scan3A to %scan3A_2 step %scan3A_3  : i32 {
      %mul3A_33 = arith.constant 2 : i32
      %mul3A_34 = arith.muli %scan3A_32, %mul3A_33 : i32
      %add3A_35 = arith.constant 0 : i32
      %add3A_36 = arith.addi %add3A_35, %mul3A_34 : i32
      %add3A_37 = arith.constant 0 : i32
      %add3A_38 = arith.addi %add3A_36, %add3A_37 : i32
      %ge3A = arith.constant 2 : i32
      %ge3A_39 = arith.cmpi sge, %add3A_38, %ge3A : i32
      %convert_element_type3A = arith.extui %ge3A_39 : i1 to i32
      %cond3A = arith.constant 0 : i32
      %cond3A_40 = arith.cmpi ne, %convert_element_type3A, %cond3A : i32
      scf.if %cond3A_40 {
        %sub3A = arith.constant 2 : i32
        %sub3A_85 = arith.subi %add3A_38, %sub3A : i32
        %mul3A_86 = arith.constant 256 : i32
        %mul3A_87 = arith.muli %sub3A_85, %mul3A_86 : i32
        %dma_wait3A_88 = arith.constant 0 : i32
        %dma_wait3A_89 = arith.constant 0 : i32
        %dma_wait3A_90 = tpu.memref_slice %arg5[%add3A, %dma_wait3A_88, %dma_wait3A_89] : memref<32x8192x128xf32, #tpu.memory_space<hbm>> -> memref<1x8192x128xf32, #tpu.memory_space<hbm>>
        %dma_wait3A_91 = tpu.memref_squeeze %dma_wait3A_90 : memref<1x8192x128xf32, #tpu.memory_space<hbm>> -> memref<8192x128xf32, #tpu.memory_space<hbm>>
        %dma_wait3A_92 = arith.constant 0 : i32
        %dma_wait3A_93 = tpu.memref_slice %dma_wait3A_91[%mul3A_87, %dma_wait3A_92] : memref<8192x128xf32, #tpu.memory_space<hbm>> -> memref<256x128xf32, #tpu.memory_space<hbm>>
        %dma_wait3A_94 = arith.constant 0 : i32
        %dma_wait3A_95 = arith.constant 0 : i32
        %dma_wait3A_96 = tpu.memref_slice %arg5[%add3A, %dma_wait3A_94, %dma_wait3A_95] : memref<32x8192x128xf32, #tpu.memory_space<hbm>> -> memref<1x8192x128xf32, #tpu.memory_space<hbm>>
        %dma_wait3A_97 = tpu.memref_squeeze %dma_wait3A_96 : memref<1x8192x128xf32, #tpu.memory_space<hbm>> -> memref<8192x128xf32, #tpu.memory_space<hbm>>
        %dma_wait3A_98 = arith.constant 0 : i32
        %dma_wait3A_99 = tpu.memref_slice %dma_wait3A_97[%mul3A_87, %dma_wait3A_98] : memref<8192x128xf32, #tpu.memory_space<hbm>> -> memref<256x128xf32, #tpu.memory_space<hbm>>
        tpu.wait_dma2 semaphore(%arg11 : memref<!tpu.dma_semaphore, #tpu.memory_space<semaphore_mem>>) src(%arg9 : memref<256x128xf32, #tpu.memory_space<vmem>>) dst(%dma_wait3A_99 : memref<256x128xf32, #tpu.memory_space<hbm>>)
      } else {
      }
      %mul3A_41 = arith.constant 256 : i32
      %mul3A_42 = arith.muli %add3A_38, %mul3A_41 : i32
      %iota3A = tpu.iota {dimensions = array<i32: 0>} : vector<16xi32>
      %parallel_loop3A = arith.constant 0 : i32
      %parallel_loop3A_43 = arith.constant 256 : i32
      %parallel_loop3A_44 = arith.constant 1 : i32
      scf.for %parallel_loop3A_85 = %parallel_loop3A to %parallel_loop3A_43 step %parallel_loop3A_44  : i32 {
        %parallel_loop3A_86 = arith.addi %mul3A_42, %parallel_loop3A_85 : i32
        %parallel_loop3A_87 = arith.index_cast %parallel_loop3A_86 : i32 to index
        %parallel_loop3A_88 = tpu.vector_load %arg7[%parallel_loop3A_87] {strides = array<i32>} : memref<8208xi32, #tpu.memory_space<vmem>>, vector<16xi32>,
        %parallel_loop3A_89 = arith.addi %mul3A_42, %parallel_loop3A_85 : i32
        %parallel_loop3A_90 = arith.index_cast %parallel_loop3A_89 : i32 to index
        %parallel_loop3A_91 = tpu.vector_load %arg8[%parallel_loop3A_90] {strides = array<i32>} : memref<8208xf32, #tpu.memory_space<vmem>>, vector<16xf32>,
        %parallel_loop3A_92 = vector.extract_strided_slice %parallel_loop3A_88 {offsets = [0], sizes = [1], strides = [1]} : vector<16xi32> to vector<1xi32>
        %parallel_loop3A_93 = vector.extract %parallel_loop3A_92[0] : i32 from vector<1xi32>
        %parallel_loop3A_94 = vector.broadcast %parallel_loop3A_93 : i32 to vector<16xi32>
        %parallel_loop3A_95 = vector.extract_strided_slice %parallel_loop3A_91 {offsets = [0], sizes = [1], strides = [1]} : vector<16xf32> to vector<1xf32>
        %parallel_loop3A_96 = vector.extract %parallel_loop3A_95[0] : f32 from vector<1xf32>
        %parallel_loop3A_97 = vector.broadcast %parallel_loop3A_96 : f32 to vector<16xf32>
        %parallel_loop3A_98 = arith.constant 0 : i32
        %parallel_loop3A_99 = vector.broadcast %parallel_loop3A_98 : i32 to vector<16xi32>
        %parallel_loop3A_100 = arith.addi %iota3A, %parallel_loop3A_99 : vector<16xi32>
        %parallel_loop3A_101 = tpu.vector_load_idx %arg6[%parallel_loop3A_94, %parallel_loop3A_100] : memref<256x128xf32, #tpu.memory_space<vmem>>[vector<16xi32>, vector<16xi32>], vector<16xf32>,
        %parallel_loop3A_102 = arith.mulf %parallel_loop3A_101, %parallel_loop3A_97 : vector<16xf32>
        %parallel_loop3A_103 = arith.index_cast %parallel_loop3A_85 : i32 to index
        %parallel_loop3A_104 = arith.constant 0 : index
        %parallel_loop3A_105 = tpu.vector_load %arg9[%parallel_loop3A_103, %parallel_loop3A_104] {strides = array<i32>} : memref<256x128xf32, #tpu.memory_space<vmem>>, vector<16xf32>,
        tpu.vector_store %arg9[%parallel_loop3A_103, %parallel_loop3A_104], %parallel_loop3A_102 {strides = array<i32>} : memref<256x128xf32, #tpu.memory_space<vmem>>, vector<16xf32>,
        %parallel_loop3A_106 = arith.constant 16 : i32
        %parallel_loop3A_107 = vector.broadcast %parallel_loop3A_106 : i32 to vector<16xi32>
        %parallel_loop3A_108 = arith.addi %iota3A, %parallel_loop3A_107 : vector<16xi32>
        %parallel_loop3A_109 = tpu.vector_load_idx %arg6[%parallel_loop3A_94, %parallel_loop3A_108] : memref<256x128xf32, #tpu.memory_space<vmem>>[vector<16xi32>, vector<16xi32>], vector<16xf32>,
        %parallel_loop3A_110 = arith.mulf %parallel_loop3A_109, %parallel_loop3A_97 : vector<16xf32>
        %parallel_loop3A_111 = arith.index_cast %parallel_loop3A_85 : i32 to index
        %parallel_loop3A_112 = arith.constant 16 : index
        %parallel_loop3A_113 = tpu.vector_load %arg9[%parallel_loop3A_111, %parallel_loop3A_112] {strides = array<i32>} : memref<256x128xf32, #tpu.memory_space<vmem>>, vector<16xf32>,
        tpu.vector_store %arg9[%parallel_loop3A_111, %parallel_loop3A_112], %parallel_loop3A_110 {strides = array<i32>} : memref<256x128xf32, #tpu.memory_space<vmem>>, vector<16xf32>,
        %parallel_loop3A_114 = arith.constant 32 : i32
        %parallel_loop3A_115 = vector.broadcast %parallel_loop3A_114 : i32 to vector<16xi32>
        %parallel_loop3A_116 = arith.addi %iota3A, %parallel_loop3A_115 : vector<16xi32>
        %parallel_loop3A_117 = tpu.vector_load_idx %arg6[%parallel_loop3A_94, %parallel_loop3A_116] : memref<256x128xf32, #tpu.memory_space<vmem>>[vector<16xi32>, vector<16xi32>], vector<16xf32>,
        %parallel_loop3A_118 = arith.mulf %parallel_loop3A_117, %parallel_loop3A_97 : vector<16xf32>
        %parallel_loop3A_119 = arith.index_cast %parallel_loop3A_85 : i32 to index
        %parallel_loop3A_120 = arith.constant 32 : index
        %parallel_loop3A_121 = tpu.vector_load %arg9[%parallel_loop3A_119, %parallel_loop3A_120] {strides = array<i32>} : memref<256x128xf32, #tpu.memory_space<vmem>>, vector<16xf32>,
        tpu.vector_store %arg9[%parallel_loop3A_119, %parallel_loop3A_120], %parallel_loop3A_118 {strides = array<i32>} : memref<256x128xf32, #tpu.memory_space<vmem>>, vector<16xf32>,
        %parallel_loop3A_122 = arith.constant 48 : i32
        %parallel_loop3A_123 = vector.broadcast %parallel_loop3A_122 : i32 to vector<16xi32>
        %parallel_loop3A_124 = arith.addi %iota3A, %parallel_loop3A_123 : vector<16xi32>
        %parallel_loop3A_125 = tpu.vector_load_idx %arg6[%parallel_loop3A_94, %parallel_loop3A_124] : memref<256x128xf32, #tpu.memory_space<vmem>>[vector<16xi32>, vector<16xi32>], vector<16xf32>,
        %parallel_loop3A_126 = arith.mulf %parallel_loop3A_125, %parallel_loop3A_97 : vector<16xf32>
        %parallel_loop3A_127 = arith.index_cast %parallel_loop3A_85 : i32 to index
        %parallel_loop3A_128 = arith.constant 48 : index
        %parallel_loop3A_129 = tpu.vector_load %arg9[%parallel_loop3A_127, %parallel_loop3A_128] {strides = array<i32>} : memref<256x128xf32, #tpu.memory_space<vmem>>, vector<16xf32>,
        tpu.vector_store %arg9[%parallel_loop3A_127, %parallel_loop3A_128], %parallel_loop3A_126 {strides = array<i32>} : memref<256x128xf32, #tpu.memory_space<vmem>>, vector<16xf32>,
        %parallel_loop3A_130 = arith.constant 64 : i32
        %parallel_loop3A_131 = vector.broadcast %parallel_loop3A_130 : i32 to vector<16xi32>
        %parallel_loop3A_132 = arith.addi %iota3A, %parallel_loop3A_131 : vector<16xi32>
        %parallel_loop3A_133 = tpu.vector_load_idx %arg6[%parallel_loop3A_94, %parallel_loop3A_132] : memref<256x128xf32, #tpu.memory_space<vmem>>[vector<16xi32>, vector<16xi32>], vector<16xf32>,
        %parallel_loop3A_134 = arith.mulf %parallel_loop3A_133, %parallel_loop3A_97 : vector<16xf32>
        %parallel_loop3A_135 = arith.index_cast %parallel_loop3A_85 : i32 to index
        %parallel_loop3A_136 = arith.constant 64 : index
        %parallel_loop3A_137 = tpu.vector_load %arg9[%parallel_loop3A_135, %parallel_loop3A_136] {strides = array<i32>} : memref<256x128xf32, #tpu.memory_space<vmem>>, vector<16xf32>,
        tpu.vector_store %arg9[%parallel_loop3A_135, %parallel_loop3A_136], %parallel_loop3A_134 {strides = array<i32>} : memref<256x128xf32, #tpu.memory_space<vmem>>, vector<16xf32>,
        %parallel_loop3A_138 = arith.constant 80 : i32
        %parallel_loop3A_139 = vector.broadcast %parallel_loop3A_138 : i32 to vector<16xi32>
        %parallel_loop3A_140 = arith.addi %iota3A, %parallel_loop3A_139 : vector<16xi32>
        %parallel_loop3A_141 = tpu.vector_load_idx %arg6[%parallel_loop3A_94, %parallel_loop3A_140] : memref<256x128xf32, #tpu.memory_space<vmem>>[vector<16xi32>, vector<16xi32>], vector<16xf32>,
        %parallel_loop3A_142 = arith.mulf %parallel_loop3A_141, %parallel_loop3A_97 : vector<16xf32>
        %parallel_loop3A_143 = arith.index_cast %parallel_loop3A_85 : i32 to index
        %parallel_loop3A_144 = arith.constant 80 : index
        %parallel_loop3A_145 = tpu.vector_load %arg9[%parallel_loop3A_143, %parallel_loop3A_144] {strides = array<i32>} : memref<256x128xf32, #tpu.memory_space<vmem>>, vector<16xf32>,
        tpu.vector_store %arg9[%parallel_loop3A_143, %parallel_loop3A_144], %parallel_loop3A_142 {strides = array<i32>} : memref<256x128xf32, #tpu.memory_space<vmem>>, vector<16xf32>,
        %parallel_loop3A_146 = arith.constant 96 : i32
        %parallel_loop3A_147 = vector.broadcast %parallel_loop3A_146 : i32 to vector<16xi32>
        %parallel_loop3A_148 = arith.addi %iota3A, %parallel_loop3A_147 : vector<16xi32>
        %parallel_loop3A_149 = tpu.vector_load_idx %arg6[%parallel_loop3A_94, %parallel_loop3A_148] : memref<256x128xf32, #tpu.memory_space<vmem>>[vector<16xi32>, vector<16xi32>], vector<16xf32>,
        %parallel_loop3A_150 = arith.mulf %parallel_loop3A_149, %parallel_loop3A_97 : vector<16xf32>
        %parallel_loop3A_151 = arith.index_cast %parallel_loop3A_85 : i32 to index
        %parallel_loop3A_152 = arith.constant 96 : index
        %parallel_loop3A_153 = tpu.vector_load %arg9[%parallel_loop3A_151, %parallel_loop3A_152] {strides = array<i32>} : memref<256x128xf32, #tpu.memory_space<vmem>>, vector<16xf32>,
        tpu.vector_store %arg9[%parallel_loop3A_151, %parallel_loop3A_152], %parallel_loop3A_150 {strides = array<i32>} : memref<256x128xf32, #tpu.memory_space<vmem>>, vector<16xf32>,
        %parallel_loop3A_154 = arith.constant 112 : i32
        %parallel_loop3A_155 = vector.broadcast %parallel_loop3A_154 : i32 to vector<16xi32>
        %parallel_loop3A_156 = arith.addi %iota3A, %parallel_loop3A_155 : vector<16xi32>
        %parallel_loop3A_157 = tpu.vector_load_idx %arg6[%parallel_loop3A_94, %parallel_loop3A_156] : memref<256x128xf32, #tpu.memory_space<vmem>>[vector<16xi32>, vector<16xi32>], vector<16xf32>,
        %parallel_loop3A_158 = arith.mulf %parallel_loop3A_157, %parallel_loop3A_97 : vector<16xf32>
        %parallel_loop3A_159 = arith.index_cast %parallel_loop3A_85 : i32 to index
        %parallel_loop3A_160 = arith.constant 112 : index
        %parallel_loop3A_161 = tpu.vector_load %arg9[%parallel_loop3A_159, %parallel_loop3A_160] {strides = array<i32>} : memref<256x128xf32, #tpu.memory_space<vmem>>, vector<16xf32>,
        tpu.vector_store %arg9[%parallel_loop3A_159, %parallel_loop3A_160], %parallel_loop3A_158 {strides = array<i32>} : memref<256x128xf32, #tpu.memory_space<vmem>>, vector<16xf32>,
      } {sc.loop_unroll_factor = 8 : i64, sc.parallel_access}
      %mul3A_45 = arith.constant 256 : i32
      %mul3A_46 = arith.muli %add3A_38, %mul3A_45 : i32
      %dma_start3A = arith.constant 0 : i32
      %dma_start3A_47 = arith.constant 0 : i32
      %dma_start3A_48 = tpu.memref_slice %arg5[%add3A, %dma_start3A, %dma_start3A_47] : memref<32x8192x128xf32, #tpu.memory_space<hbm>> -> memref<1x8192x128xf32, #tpu.memory_space<hbm>>
      %dma_start3A_49 = tpu.memref_squeeze %dma_start3A_48 : memref<1x8192x128xf32, #tpu.memory_space<hbm>> -> memref<8192x128xf32, #tpu.memory_space<hbm>>
      %dma_start3A_50 = arith.constant 0 : i32
      %dma_start3A_51 = tpu.memref_slice %dma_start3A_49[%mul3A_46, %dma_start3A_50] : memref<8192x128xf32, #tpu.memory_space<hbm>> -> memref<256x128xf32, #tpu.memory_space<hbm>>
      %dma_start3A_52 = arith.constant 0 : i32
      %dma_start3A_53 = arith.constant 0 : i32
      %dma_start3A_54 = tpu.memref_slice %arg5[%add3A, %dma_start3A_52, %dma_start3A_53] : memref<32x8192x128xf32, #tpu.memory_space<hbm>> -> memref<1x8192x128xf32, #tpu.memory_space<hbm>>
      %dma_start3A_55 = tpu.memref_squeeze %dma_start3A_54 : memref<1x8192x128xf32, #tpu.memory_space<hbm>> -> memref<8192x128xf32, #tpu.memory_space<hbm>>
      %dma_start3A_56 = arith.constant 0 : i32
      %dma_start3A_57 = tpu.memref_slice %dma_start3A_55[%mul3A_46, %dma_start3A_56] : memref<8192x128xf32, #tpu.memory_space<hbm>> -> memref<256x128xf32, #tpu.memory_space<hbm>>
      tpu.enqueue_dma source(%arg9 : memref<256x128xf32, #tpu.memory_space<vmem>>) target(%dma_start3A_57 : memref<256x128xf32, #tpu.memory_space<hbm>>) target_semaphore(%arg11 : memref<!tpu.dma_semaphore, #tpu.memory_space<semaphore_mem>>)
      %add3A_58 = arith.constant 1 : i32
      %add3A_59 = arith.addi %add3A_36, %add3A_58 : i32
      %ge3A_60 = arith.constant 2 : i32
      %ge3A_61 = arith.cmpi sge, %add3A_59, %ge3A_60 : i32
      %convert_element_type3A_62 = arith.extui %ge3A_61 : i1 to i32
      %cond3A_63 = arith.constant 0 : i32
      %cond3A_64 = arith.cmpi ne, %convert_element_type3A_62, %cond3A_63 : i32
      scf.if %cond3A_64 {
        %sub3A = arith.constant 2 : i32
        %sub3A_85 = arith.subi %add3A_59, %sub3A : i32
        %mul3A_86 = arith.constant 256 : i32
        %mul3A_87 = arith.muli %sub3A_85, %mul3A_86 : i32
        %dma_wait3A_88 = arith.constant 0 : i32
        %dma_wait3A_89 = arith.constant 0 : i32
        %dma_wait3A_90 = tpu.memref_slice %arg5[%add3A, %dma_wait3A_88, %dma_wait3A_89] : memref<32x8192x128xf32, #tpu.memory_space<hbm>> -> memref<1x8192x128xf32, #tpu.memory_space<hbm>>
        %dma_wait3A_91 = tpu.memref_squeeze %dma_wait3A_90 : memref<1x8192x128xf32, #tpu.memory_space<hbm>> -> memref<8192x128xf32, #tpu.memory_space<hbm>>
        %dma_wait3A_92 = arith.constant 0 : i32
        %dma_wait3A_93 = tpu.memref_slice %dma_wait3A_91[%mul3A_87, %dma_wait3A_92] : memref<8192x128xf32, #tpu.memory_space<hbm>> -> memref<256x128xf32, #tpu.memory_space<hbm>>
        %dma_wait3A_94 = arith.constant 0 : i32
        %dma_wait3A_95 = arith.constant 0 : i32
        %dma_wait3A_96 = tpu.memref_slice %arg5[%add3A, %dma_wait3A_94, %dma_wait3A_95] : memref<32x8192x128xf32, #tpu.memory_space<hbm>> -> memref<1x8192x128xf32, #tpu.memory_space<hbm>>
        %dma_wait3A_97 = tpu.memref_squeeze %dma_wait3A_96 : memref<1x8192x128xf32, #tpu.memory_space<hbm>> -> memref<8192x128xf32, #tpu.memory_space<hbm>>
        %dma_wait3A_98 = arith.constant 0 : i32
        %dma_wait3A_99 = tpu.memref_slice %dma_wait3A_97[%mul3A_87, %dma_wait3A_98] : memref<8192x128xf32, #tpu.memory_space<hbm>> -> memref<256x128xf32, #tpu.memory_space<hbm>>
        tpu.wait_dma2 semaphore(%arg12 : memref<!tpu.dma_semaphore, #tpu.memory_space<semaphore_mem>>) src(%arg10 : memref<256x128xf32, #tpu.memory_space<vmem>>) dst(%dma_wait3A_99 : memref<256x128xf32, #tpu.memory_space<hbm>>)
      } else {
      }
      %mul3A_65 = arith.constant 256 : i32
      %mul3A_66 = arith.muli %add3A_59, %mul3A_65 : i32
      %iota3A_67 = tpu.iota {dimensions = array<i32: 0>} : vector<16xi32>
      %parallel_loop3A_68 = arith.constant 0 : i32
      %parallel_loop3A_69 = arith.constant 256 : i32
      %parallel_loop3A_70 = arith.constant 1 : i32
      scf.for %parallel_loop3A_85 = %parallel_loop3A_68 to %parallel_loop3A_69 step %parallel_loop3A_70  : i32 {
        %parallel_loop3A_86 = arith.addi %mul3A_66, %parallel_loop3A_85 : i32
        %parallel_loop3A_87 = arith.index_cast %parallel_loop3A_86 : i32 to index
        %parallel_loop3A_88 = tpu.vector_load %arg7[%parallel_loop3A_87] {strides = array<i32>} : memref<8208xi32, #tpu.memory_space<vmem>>, vector<16xi32>,
        %parallel_loop3A_89 = arith.addi %mul3A_66, %parallel_loop3A_85 : i32
        %parallel_loop3A_90 = arith.index_cast %parallel_loop3A_89 : i32 to index
        %parallel_loop3A_91 = tpu.vector_load %arg8[%parallel_loop3A_90] {strides = array<i32>} : memref<8208xf32, #tpu.memory_space<vmem>>, vector<16xf32>,
        %parallel_loop3A_92 = vector.extract_strided_slice %parallel_loop3A_88 {offsets = [0], sizes = [1], strides = [1]} : vector<16xi32> to vector<1xi32>
        %parallel_loop3A_93 = vector.extract %parallel_loop3A_92[0] : i32 from vector<1xi32>
        %parallel_loop3A_94 = vector.broadcast %parallel_loop3A_93 : i32 to vector<16xi32>
        %parallel_loop3A_95 = vector.extract_strided_slice %parallel_loop3A_91 {offsets = [0], sizes = [1], strides = [1]} : vector<16xf32> to vector<1xf32>
        %parallel_loop3A_96 = vector.extract %parallel_loop3A_95[0] : f32 from vector<1xf32>
        %parallel_loop3A_97 = vector.broadcast %parallel_loop3A_96 : f32 to vector<16xf32>
        %parallel_loop3A_98 = arith.constant 0 : i32
        %parallel_loop3A_99 = vector.broadcast %parallel_loop3A_98 : i32 to vector<16xi32>
        %parallel_loop3A_100 = arith.addi %iota3A_67, %parallel_loop3A_99 : vector<16xi32>
        %parallel_loop3A_101 = tpu.vector_load_idx %arg6[%parallel_loop3A_94, %parallel_loop3A_100] : memref<256x128xf32, #tpu.memory_space<vmem>>[vector<16xi32>, vector<16xi32>], vector<16xf32>,
        %parallel_loop3A_102 = arith.mulf %parallel_loop3A_101, %parallel_loop3A_97 : vector<16xf32>
        %parallel_loop3A_103 = arith.index_cast %parallel_loop3A_85 : i32 to index
        %parallel_loop3A_104 = arith.constant 0 : index
        %parallel_loop3A_105 = tpu.vector_load %arg10[%parallel_loop3A_103, %parallel_loop3A_104] {strides = array<i32>} : memref<256x128xf32, #tpu.memory_space<vmem>>, vector<16xf32>,
        tpu.vector_store %arg10[%parallel_loop3A_103, %parallel_loop3A_104], %parallel_loop3A_102 {strides = array<i32>} : memref<256x128xf32, #tpu.memory_space<vmem>>, vector<16xf32>,
        %parallel_loop3A_106 = arith.constant 16 : i32
        %parallel_loop3A_107 = vector.broadcast %parallel_loop3A_106 : i32 to vector<16xi32>
        %parallel_loop3A_108 = arith.addi %iota3A_67, %parallel_loop3A_107 : vector<16xi32>
        %parallel_loop3A_109 = tpu.vector_load_idx %arg6[%parallel_loop3A_94, %parallel_loop3A_108] : memref<256x128xf32, #tpu.memory_space<vmem>>[vector<16xi32>, vector<16xi32>], vector<16xf32>,
        %parallel_loop3A_110 = arith.mulf %parallel_loop3A_109, %parallel_loop3A_97 : vector<16xf32>
        %parallel_loop3A_111 = arith.index_cast %parallel_loop3A_85 : i32 to index
        %parallel_loop3A_112 = arith.constant 16 : index
        %parallel_loop3A_113 = tpu.vector_load %arg10[%parallel_loop3A_111, %parallel_loop3A_112] {strides = array<i32>} : memref<256x128xf32, #tpu.memory_space<vmem>>, vector<16xf32>,
        tpu.vector_store %arg10[%parallel_loop3A_111, %parallel_loop3A_112], %parallel_loop3A_110 {strides = array<i32>} : memref<256x128xf32, #tpu.memory_space<vmem>>, vector<16xf32>,
        %parallel_loop3A_114 = arith.constant 32 : i32
        %parallel_loop3A_115 = vector.broadcast %parallel_loop3A_114 : i32 to vector<16xi32>
        %parallel_loop3A_116 = arith.addi %iota3A_67, %parallel_loop3A_115 : vector<16xi32>
        %parallel_loop3A_117 = tpu.vector_load_idx %arg6[%parallel_loop3A_94, %parallel_loop3A_116] : memref<256x128xf32, #tpu.memory_space<vmem>>[vector<16xi32>, vector<16xi32>], vector<16xf32>,
        %parallel_loop3A_118 = arith.mulf %parallel_loop3A_117, %parallel_loop3A_97 : vector<16xf32>
        %parallel_loop3A_119 = arith.index_cast %parallel_loop3A_85 : i32 to index
        %parallel_loop3A_120 = arith.constant 32 : index
        %parallel_loop3A_121 = tpu.vector_load %arg10[%parallel_loop3A_119, %parallel_loop3A_120] {strides = array<i32>} : memref<256x128xf32, #tpu.memory_space<vmem>>, vector<16xf32>,
        tpu.vector_store %arg10[%parallel_loop3A_119, %parallel_loop3A_120], %parallel_loop3A_118 {strides = array<i32>} : memref<256x128xf32, #tpu.memory_space<vmem>>, vector<16xf32>,
        %parallel_loop3A_122 = arith.constant 48 : i32
        %parallel_loop3A_123 = vector.broadcast %parallel_loop3A_122 : i32 to vector<16xi32>
        %parallel_loop3A_124 = arith.addi %iota3A_67, %parallel_loop3A_123 : vector<16xi32>
        %parallel_loop3A_125 = tpu.vector_load_idx %arg6[%parallel_loop3A_94, %parallel_loop3A_124] : memref<256x128xf32, #tpu.memory_space<vmem>>[vector<16xi32>, vector<16xi32>], vector<16xf32>,
        %parallel_loop3A_126 = arith.mulf %parallel_loop3A_125, %parallel_loop3A_97 : vector<16xf32>
        %parallel_loop3A_127 = arith.index_cast %parallel_loop3A_85 : i32 to index
        %parallel_loop3A_128 = arith.constant 48 : index
        %parallel_loop3A_129 = tpu.vector_load %arg10[%parallel_loop3A_127, %parallel_loop3A_128] {strides = array<i32>} : memref<256x128xf32, #tpu.memory_space<vmem>>, vector<16xf32>,
        tpu.vector_store %arg10[%parallel_loop3A_127, %parallel_loop3A_128], %parallel_loop3A_126 {strides = array<i32>} : memref<256x128xf32, #tpu.memory_space<vmem>>, vector<16xf32>,
        %parallel_loop3A_130 = arith.constant 64 : i32
        %parallel_loop3A_131 = vector.broadcast %parallel_loop3A_130 : i32 to vector<16xi32>
        %parallel_loop3A_132 = arith.addi %iota3A_67, %parallel_loop3A_131 : vector<16xi32>
        %parallel_loop3A_133 = tpu.vector_load_idx %arg6[%parallel_loop3A_94, %parallel_loop3A_132] : memref<256x128xf32, #tpu.memory_space<vmem>>[vector<16xi32>, vector<16xi32>], vector<16xf32>,
        %parallel_loop3A_134 = arith.mulf %parallel_loop3A_133, %parallel_loop3A_97 : vector<16xf32>
        %parallel_loop3A_135 = arith.index_cast %parallel_loop3A_85 : i32 to index
        %parallel_loop3A_136 = arith.constant 64 : index
        %parallel_loop3A_137 = tpu.vector_load %arg10[%parallel_loop3A_135, %parallel_loop3A_136] {strides = array<i32>} : memref<256x128xf32, #tpu.memory_space<vmem>>, vector<16xf32>,
        tpu.vector_store %arg10[%parallel_loop3A_135, %parallel_loop3A_136], %parallel_loop3A_134 {strides = array<i32>} : memref<256x128xf32, #tpu.memory_space<vmem>>, vector<16xf32>,
        %parallel_loop3A_138 = arith.constant 80 : i32
        %parallel_loop3A_139 = vector.broadcast %parallel_loop3A_138 : i32 to vector<16xi32>
        %parallel_loop3A_140 = arith.addi %iota3A_67, %parallel_loop3A_139 : vector<16xi32>
        %parallel_loop3A_141 = tpu.vector_load_idx %arg6[%parallel_loop3A_94, %parallel_loop3A_140] : memref<256x128xf32, #tpu.memory_space<vmem>>[vector<16xi32>, vector<16xi32>], vector<16xf32>,
        %parallel_loop3A_142 = arith.mulf %parallel_loop3A_141, %parallel_loop3A_97 : vector<16xf32>
        %parallel_loop3A_143 = arith.index_cast %parallel_loop3A_85 : i32 to index
        %parallel_loop3A_144 = arith.constant 80 : index
        %parallel_loop3A_145 = tpu.vector_load %arg10[%parallel_loop3A_143, %parallel_loop3A_144] {strides = array<i32>} : memref<256x128xf32, #tpu.memory_space<vmem>>, vector<16xf32>,
        tpu.vector_store %arg10[%parallel_loop3A_143, %parallel_loop3A_144], %parallel_loop3A_142 {strides = array<i32>} : memref<256x128xf32, #tpu.memory_space<vmem>>, vector<16xf32>,
        %parallel_loop3A_146 = arith.constant 96 : i32
        %parallel_loop3A_147 = vector.broadcast %parallel_loop3A_146 : i32 to vector<16xi32>
        %parallel_loop3A_148 = arith.addi %iota3A_67, %parallel_loop3A_147 : vector<16xi32>
        %parallel_loop3A_149 = tpu.vector_load_idx %arg6[%parallel_loop3A_94, %parallel_loop3A_148] : memref<256x128xf32, #tpu.memory_space<vmem>>[vector<16xi32>, vector<16xi32>], vector<16xf32>,
        %parallel_loop3A_150 = arith.mulf %parallel_loop3A_149, %parallel_loop3A_97 : vector<16xf32>
        %parallel_loop3A_151 = arith.index_cast %parallel_loop3A_85 : i32 to index
        %parallel_loop3A_152 = arith.constant 96 : index
        %parallel_loop3A_153 = tpu.vector_load %arg10[%parallel_loop3A_151, %parallel_loop3A_152] {strides = array<i32>} : memref<256x128xf32, #tpu.memory_space<vmem>>, vector<16xf32>,
        tpu.vector_store %arg10[%parallel_loop3A_151, %parallel_loop3A_152], %parallel_loop3A_150 {strides = array<i32>} : memref<256x128xf32, #tpu.memory_space<vmem>>, vector<16xf32>,
        %parallel_loop3A_154 = arith.constant 112 : i32
        %parallel_loop3A_155 = vector.broadcast %parallel_loop3A_154 : i32 to vector<16xi32>
        %parallel_loop3A_156 = arith.addi %iota3A_67, %parallel_loop3A_155 : vector<16xi32>
        %parallel_loop3A_157 = tpu.vector_load_idx %arg6[%parallel_loop3A_94, %parallel_loop3A_156] : memref<256x128xf32, #tpu.memory_space<vmem>>[vector<16xi32>, vector<16xi32>], vector<16xf32>,
        %parallel_loop3A_158 = arith.mulf %parallel_loop3A_157, %parallel_loop3A_97 : vector<16xf32>
        %parallel_loop3A_159 = arith.index_cast %parallel_loop3A_85 : i32 to index
        %parallel_loop3A_160 = arith.constant 112 : index
        %parallel_loop3A_161 = tpu.vector_load %arg10[%parallel_loop3A_159, %parallel_loop3A_160] {strides = array<i32>} : memref<256x128xf32, #tpu.memory_space<vmem>>, vector<16xf32>,
        tpu.vector_store %arg10[%parallel_loop3A_159, %parallel_loop3A_160], %parallel_loop3A_158 {strides = array<i32>} : memref<256x128xf32, #tpu.memory_space<vmem>>, vector<16xf32>,
      } {sc.loop_unroll_factor = 8 : i64, sc.parallel_access}
      %mul3A_71 = arith.constant 256 : i32
      %mul3A_72 = arith.muli %add3A_59, %mul3A_71 : i32
      %dma_start3A_73 = arith.constant 0 : i32
      %dma_start3A_74 = arith.constant 0 : i32
      %dma_start3A_75 = tpu.memref_slice %arg5[%add3A, %dma_start3A_73, %dma_start3A_74] : memref<32x8192x128xf32, #tpu.memory_space<hbm>> -> memref<1x8192x128xf32, #tpu.memory_space<hbm>>
      %dma_start3A_76 = tpu.memref_squeeze %dma_start3A_75 : memref<1x8192x128xf32, #tpu.memory_space<hbm>> -> memref<8192x128xf32, #tpu.memory_space<hbm>>
      %dma_start3A_77 = arith.constant 0 : i32
      %dma_start3A_78 = tpu.memref_slice %dma_start3A_76[%mul3A_72, %dma_start3A_77] : memref<8192x128xf32, #tpu.memory_space<hbm>> -> memref<256x128xf32, #tpu.memory_space<hbm>>
      %dma_start3A_79 = arith.constant 0 : i32
      %dma_start3A_80 = arith.constant 0 : i32
      %dma_start3A_81 = tpu.memref_slice %arg5[%add3A, %dma_start3A_79, %dma_start3A_80] : memref<32x8192x128xf32, #tpu.memory_space<hbm>> -> memref<1x8192x128xf32, #tpu.memory_space<hbm>>
      %dma_start3A_82 = tpu.memref_squeeze %dma_start3A_81 : memref<1x8192x128xf32, #tpu.memory_space<hbm>> -> memref<8192x128xf32, #tpu.memory_space<hbm>>
      %dma_start3A_83 = arith.constant 0 : i32
      %dma_start3A_84 = tpu.memref_slice %dma_start3A_82[%mul3A_72, %dma_start3A_83] : memref<8192x128xf32, #tpu.memory_space<hbm>> -> memref<256x128xf32, #tpu.memory_space<hbm>>
      tpu.enqueue_dma source(%arg10 : memref<256x128xf32, #tpu.memory_space<vmem>>) target(%dma_start3A_84 : memref<256x128xf32, #tpu.memory_space<hbm>>) target_semaphore(%arg12 : memref<!tpu.dma_semaphore, #tpu.memory_space<semaphore_mem>>)
    }
    %scan3A_4 = arith.constant 16 : i32
    %dma_wait3A = arith.constant 0 : i32
    %dma_wait3A_5 = arith.constant 0 : i32
    %dma_wait3A_6 = tpu.memref_slice %arg5[%add3A, %dma_wait3A, %dma_wait3A_5] : memref<32x8192x128xf32, #tpu.memory_space<hbm>> -> memref<1x8192x128xf32, #tpu.memory_space<hbm>>
    %dma_wait3A_7 = tpu.memref_squeeze %dma_wait3A_6 : memref<1x8192x128xf32, #tpu.memory_space<hbm>> -> memref<8192x128xf32, #tpu.memory_space<hbm>>
    %dma_wait3A_8 = arith.constant 7680 : i32
    %dma_wait3A_9 = arith.constant 0 : i32
    %dma_wait3A_10 = tpu.memref_slice %dma_wait3A_7[%dma_wait3A_8, %dma_wait3A_9] : memref<8192x128xf32, #tpu.memory_space<hbm>> -> memref<256x128xf32, #tpu.memory_space<hbm>>
    %dma_wait3A_11 = arith.constant 0 : i32
    %dma_wait3A_12 = arith.constant 0 : i32
    %dma_wait3A_13 = tpu.memref_slice %arg5[%add3A, %dma_wait3A_11, %dma_wait3A_12] : memref<32x8192x128xf32, #tpu.memory_space<hbm>> -> memref<1x8192x128xf32, #tpu.memory_space<hbm>>
    %dma_wait3A_14 = tpu.memref_squeeze %dma_wait3A_13 : memref<1x8192x128xf32, #tpu.memory_space<hbm>> -> memref<8192x128xf32, #tpu.memory_space<hbm>>
    %dma_wait3A_15 = arith.constant 7680 : i32
    %dma_wait3A_16 = arith.constant 0 : i32
    %dma_wait3A_17 = tpu.memref_slice %dma_wait3A_14[%dma_wait3A_15, %dma_wait3A_16] : memref<8192x128xf32, #tpu.memory_space<hbm>> -> memref<256x128xf32, #tpu.memory_space<hbm>>
    tpu.wait_dma2 semaphore(%arg11 : memref<!tpu.dma_semaphore, #tpu.memory_space<semaphore_mem>>) src(%arg9 : memref<256x128xf32, #tpu.memory_space<vmem>>) dst(%dma_wait3A_17 : memref<256x128xf32, #tpu.memory_space<hbm>>)
    %dma_wait3A_18 = arith.constant 0 : i32
    %dma_wait3A_19 = arith.constant 0 : i32
    %dma_wait3A_20 = tpu.memref_slice %arg5[%add3A, %dma_wait3A_18, %dma_wait3A_19] : memref<32x8192x128xf32, #tpu.memory_space<hbm>> -> memref<1x8192x128xf32, #tpu.memory_space<hbm>>
    %dma_wait3A_21 = tpu.memref_squeeze %dma_wait3A_20 : memref<1x8192x128xf32, #tpu.memory_space<hbm>> -> memref<8192x128xf32, #tpu.memory_space<hbm>>
    %dma_wait3A_22 = arith.constant 7936 : i32
    %dma_wait3A_23 = arith.constant 0 : i32
    %dma_wait3A_24 = tpu.memref_slice %dma_wait3A_21[%dma_wait3A_22, %dma_wait3A_23] : memref<8192x128xf32, #tpu.memory_space<hbm>> -> memref<256x128xf32, #tpu.memory_space<hbm>>
    %dma_wait3A_25 = arith.constant 0 : i32
    %dma_wait3A_26 = arith.constant 0 : i32
    %dma_wait3A_27 = tpu.memref_slice %arg5[%add3A, %dma_wait3A_25, %dma_wait3A_26] : memref<32x8192x128xf32, #tpu.memory_space<hbm>> -> memref<1x8192x128xf32, #tpu.memory_space<hbm>>
    %dma_wait3A_28 = tpu.memref_squeeze %dma_wait3A_27 : memref<1x8192x128xf32, #tpu.memory_space<hbm>> -> memref<8192x128xf32, #tpu.memory_space<hbm>>
    %dma_wait3A_29 = arith.constant 7936 : i32
    %dma_wait3A_30 = arith.constant 0 : i32
    %dma_wait3A_31 = tpu.memref_slice %dma_wait3A_28[%dma_wait3A_29, %dma_wait3A_30] : memref<8192x128xf32, #tpu.memory_space<hbm>> -> memref<256x128xf32, #tpu.memory_space<hbm>>
    tpu.wait_dma2 semaphore(%arg12 : memref<!tpu.dma_semaphore, #tpu.memory_space<semaphore_mem>>) src(%arg10 : memref<256x128xf32, #tpu.memory_space<vmem>>) dst(%dma_wait3A_31 : memref<256x128xf32, #tpu.memory_space<hbm>>)
    return
  }
}

module attributes {stable_mosaic.version = 14 : i64} {
  func.func @_prep_body(%arg0: i32, %arg1: memref<32x256x100xf32, #tpu.memory_space<vmem>>, %arg2: memref<100x128xf32, #tpu.memory_space<vmem>>, %arg3: memref<128x100xf32, #tpu.memory_space<vmem>>, %arg4: memref<1x128xf32, #tpu.memory_space<vmem>>, %arg5: memref<2x128xf32, #tpu.memory_space<vmem>>, %arg6: memref<1x4096xi32, #tpu.memory_space<vmem>>, %arg7: memref<1x4096xi32, #tpu.memory_space<vmem>>, %arg8: memref<1x4096xf32, #tpu.memory_space<vmem>>, %arg9: memref<1x4096xf32, #tpu.memory_space<vmem>>, %arg10: memref<8192x128xf32, #tpu.memory_space<vmem>>, %arg11: memref<32x256x32xf32, #tpu.memory_space<vmem>>) attributes {dimension_semantics = [#tpu.dimension_semantics<arbitrary>], iteration_bounds = array<i64: 1>, scalar_prefetch = 0 : i64, scratch_operands = 0 : i64, tpu.core_type = #tpu.core_type<tc>, window_params = [{pipeline_mode = #tpu.pipeline_mode<synchronous>, transform_indices = @transform_0, window_bounds = array<i64: 32, 256, 100>}, {pipeline_mode = #tpu.pipeline_mode<synchronous>, transform_indices = @transform_1, window_bounds = array<i64: 100, 128>}, {pipeline_mode = #tpu.pipeline_mode<synchronous>, transform_indices = @transform_2, window_bounds = array<i64: 128, 100>}, {pipeline_mode = #tpu.pipeline_mode<synchronous>, transform_indices = @transform_3, window_bounds = array<i64: 1, 128>}, {pipeline_mode = #tpu.pipeline_mode<synchronous>, transform_indices = @transform_4, window_bounds = array<i64: 2, 128>}, {pipeline_mode = #tpu.pipeline_mode<synchronous>, transform_indices = @transform_5, window_bounds = array<i64: 1, 4096>}, {pipeline_mode = #tpu.pipeline_mode<synchronous>, transform_indices = @transform_6, window_bounds = array<i64: 1, 4096>}, {pipeline_mode = #tpu.pipeline_mode<synchronous>, transform_indices = @transform_7, window_bounds = array<i64: 1, 4096>}, {pipeline_mode = #tpu.pipeline_mode<synchronous>, transform_indices = @transform_8, window_bounds = array<i64: 1, 4096>}, {pipeline_mode = #tpu.pipeline_mode<synchronous>, transform_indices = @transform_9, window_bounds = array<i64: 8192, 128>}, {pipeline_mode = #tpu.pipeline_mode<synchronous>, transform_indices = @transform_10, window_bounds = array<i64: 32, 256, 32>}]} {
    %get3A = arith.constant 0 : index
    %get3A_0 = arith.constant 0 : index
    %get3A_1 = arith.constant 0 : index
    %get3A_2 = vector.load %arg1[%get3A, %get3A_0, %get3A_1] : memref<32x256x100xf32, #tpu.memory_space<vmem>>, vector<32x256x100xf32>
    %reshape3A = vector.shape_cast %get3A_2 : vector<32x256x100xf32> to vector<8192x100xf32>
    %get3A_3 = arith.constant 0 : index
    %get3A_4 = arith.constant 0 : index
    %get3A_5 = vector.load %arg2[%get3A_3, %get3A_4] : memref<100x128xf32, #tpu.memory_space<vmem>>, vector<100x128xf32>
    %dot_general3A = arith.constant dense<0.000000e+00> : vector<8192x128xf32>
    %dot_general3A_6 = tpu.matmul %reshape3A, %get3A_5, %dot_general3A {dimension_numbers = #tpu.dot_dimension_numbers<[1], [0], [0], [1], [0, 0, 1, 1], [], []>, transpose_lhs_hint = false} : vector<8192x100xf32>, vector<100x128xf32>, vector<8192x128xf32> -> vector<8192x128xf32>
    %get3A_7 = arith.constant 0 : index
    %get3A_8 = arith.constant 0 : index
    %get3A_9 = vector.load %arg4[%get3A_7, %get3A_8] : memref<1x128xf32, #tpu.memory_space<vmem>>, vector<1x128xf32>
    %add3A = vector.broadcast %get3A_9 : vector<1x128xf32> to vector<8192x128xf32>
    %add3A_10 = arith.addf %dot_general3A_6, %add3A : vector<8192x128xf32>
    %gt3A = arith.constant 0.000000e+00 : f32
    %gt3A_11 = vector.broadcast %gt3A : f32 to vector<8192x128xf32>
    %gt3A_12 = arith.cmpf ogt, %add3A_10, %gt3A_11 : vector<8192x128xf32>
    %mul3A = arith.constant 2.000000e-01 : f32
    %mul3A_13 = vector.broadcast %mul3A : f32 to vector<8192x128xf32>
    %mul3A_14 = arith.mulf %mul3A_13, %add3A_10 : vector<8192x128xf32>
    %select_n3A = arith.select %gt3A_12, %add3A_10, %mul3A_14 : vector<8192x128xi1>, vector<8192x128xf32>
    %swap3A = arith.constant 0 : index
    %swap3A_15 = arith.constant 0 : index
    %swap3A_16 = vector.load %arg10[%swap3A, %swap3A_15] : memref<8192x128xf32, #tpu.memory_space<vmem>>, vector<8192x128xf32>
    tpu.vector_store %arg10[%swap3A, %swap3A_15], %select_n3A {strides = array<i32>} : memref<8192x128xf32, #tpu.memory_space<vmem>>, vector<8192x128xf32>,
    %get3A_17 = arith.constant 0 : index
    %get3A_18 = arith.constant 0 : index
    %get3A_19 = vector.load %arg5[%get3A_17, %get3A_18] : memref<2x128xf32, #tpu.memory_space<vmem>>, vector<2x128xf32>
    %get3A_20 = arith.constant 0 : index
    %get3A_21 = arith.constant 0 : index
    %get3A_22 = vector.load %arg3[%get3A_20, %get3A_21] : memref<128x100xf32, #tpu.memory_space<vmem>>, vector<128x100xf32>
    %dot_general3A_23 = arith.constant dense<0.000000e+00> : vector<2x100xf32>
    %dot_general3A_24 = tpu.matmul %get3A_19, %get3A_22, %dot_general3A_23 {dimension_numbers = #tpu.dot_dimension_numbers<[1], [0], [0], [1], [0, 0, 1, 1], [], []>, transpose_lhs_hint = false} : vector<2x128xf32>, vector<128x100xf32>, vector<2x100xf32> -> vector<2x100xf32>
    %get3A_25 = arith.constant 0 : index
    %get3A_26 = arith.constant 0 : index
    %get3A_27 = vector.load %arg5[%get3A_25, %get3A_26] : memref<2x128xf32, #tpu.memory_space<vmem>>, vector<1x128xf32>
    %get3A_28 = arith.constant 1 : index
    %get3A_29 = arith.constant 0 : index
    %get3A_30 = vector.load %arg5[%get3A_28, %get3A_29] : memref<2x128xf32, #tpu.memory_space<vmem>>, vector<1x128xf32>
    %add3A_31 = arith.addf %get3A_27, %get3A_30 : vector<1x128xf32>
    %get3A_32 = arith.constant 0 : index
    %get3A_33 = arith.constant 0 : index
    %get3A_34 = vector.load %arg4[%get3A_32, %get3A_33] : memref<1x128xf32, #tpu.memory_space<vmem>>, vector<1x128xf32>
    %mul3A_35 = arith.mulf %get3A_34, %add3A_31 : vector<1x128xf32>
    %reduce_sum3A = vector.shape_cast %mul3A_35 : vector<1x128xf32> to vector<1x1x128xf32>
    %reduce_sum3A_36 = arith.constant dense<0.000000e+00> : vector<1xf32>
    %reduce_sum3A_37 = vector.multi_reduction <add>, %reduce_sum3A, %reduce_sum3A_36 [1, 2] : vector<1x1x128xf32> to vector<1xf32>
    %reduce_sum3A_38 = vector.shape_cast %reduce_sum3A_37 : vector<1xf32> to vector<1x1x1xf32>
    %reduce_sum3A_39 = vector.extract %reduce_sum3A_38[0, 0, 0] : f32 from vector<1x1x1xf32>
    %slice3A = vector.extract_strided_slice %dot_general3A_24 {offsets = [0, 0], sizes = [1, 100], strides = [1, 1]} : vector<2x100xf32> to vector<1x100xf32>
    %broadcast_in_dim3A = vector.shape_cast %slice3A : vector<1x100xf32> to vector<1x1x100xf32>
    %mul3A_40 = vector.broadcast %broadcast_in_dim3A : vector<1x1x100xf32> to vector<32x256x100xf32>
    %mul3A_41 = arith.mulf %get3A_2, %mul3A_40 : vector<32x256x100xf32>
    %reduce_sum3A_42 = arith.constant dense<0.000000e+00> : vector<32x256xf32>
    %reduce_sum3A_43 = vector.multi_reduction <add>, %mul3A_41, %reduce_sum3A_42 [2] : vector<32x256x100xf32> to vector<32x256xf32>
    %slice3A_44 = vector.extract_strided_slice %dot_general3A_24 {offsets = [1, 0], sizes = [1, 100], strides = [1, 1]} : vector<2x100xf32> to vector<1x100xf32>
    %broadcast_in_dim3A_45 = vector.shape_cast %slice3A_44 : vector<1x100xf32> to vector<1x1x100xf32>
    %mul3A_46 = vector.broadcast %broadcast_in_dim3A_45 : vector<1x1x100xf32> to vector<32x256x100xf32>
    %mul3A_47 = arith.mulf %get3A_2, %mul3A_46 : vector<32x256x100xf32>
    %reduce_sum3A_48 = arith.constant dense<0.000000e+00> : vector<32x256xf32>
    %reduce_sum3A_49 = vector.multi_reduction <add>, %mul3A_47, %reduce_sum3A_48 [2] : vector<32x256x100xf32> to vector<32x256xf32>
    %concatenate3A = tpu.concatenate %reduce_sum3A_43, %reduce_sum3A_49 in 1 : vector<32x256xf32>, vector<32x256xf32> -> vector<32x512xf32>
    %iota3A = tpu.iota {dimensions = array<i32: 0>} : vector<512x4096xi32>
    %get3A_50 = arith.constant 0 : index
    %get3A_51 = arith.constant 0 : index
    %get3A_52 = vector.load %arg6[%get3A_50, %get3A_51] : memref<1x4096xi32, #tpu.memory_space<vmem>>, vector<1x4096xi32>
    %eq3A = vector.broadcast %get3A_52 : vector<1x4096xi32> to vector<512x4096xi32>
    %eq3A_53 = arith.cmpi eq, %iota3A, %eq3A : vector<512x4096xi32>
    %get3A_54 = arith.constant 0 : index
    %get3A_55 = arith.constant 0 : index
    %get3A_56 = vector.load %arg7[%get3A_54, %get3A_55] : memref<1x4096xi32, #tpu.memory_space<vmem>>, vector<1x4096xi32>
    %add3A_57 = arith.constant 256 : i32
    %add3A_58 = vector.broadcast %add3A_57 : i32 to vector<1x4096xi32>
    %add3A_59 = arith.addi %get3A_56, %add3A_58 : vector<1x4096xi32>
    %eq3A_60 = vector.broadcast %add3A_59 : vector<1x4096xi32> to vector<512x4096xi32>
    %eq3A_61 = arith.cmpi eq, %iota3A, %eq3A_60 : vector<512x4096xi32>
    %or3A = arith.ori %eq3A_53, %eq3A_61 : vector<512x4096xi1>
    %convert_element_type3A = arith.extui %or3A : vector<512x4096xi1> to vector<512x4096xi32>
    %convert_element_type3A_62 = arith.sitofp %convert_element_type3A : vector<512x4096xi32> to vector<512x4096xf32>
    %dot_general3A_63 = arith.constant dense<0.000000e+00> : vector<32x4096xf32>
    %dot_general3A_64 = tpu.matmul %concatenate3A, %convert_element_type3A_62, %dot_general3A_63 {dimension_numbers = #tpu.dot_dimension_numbers<[1], [0], [0], [1], [0, 0, 1, 1], [], []>, transpose_lhs_hint = false} : vector<32x512xf32>, vector<512x4096xf32>, vector<32x4096xf32> -> vector<32x4096xf32>
    %add3A_65 = vector.broadcast %reduce_sum3A_39 : f32 to vector<32x4096xf32>
    %add3A_66 = arith.addf %dot_general3A_64, %add3A_65 : vector<32x4096xf32>
    %add3A_67 = arith.addf %reduce_sum3A_43, %reduce_sum3A_49 : vector<32x256xf32>
    %add3A_68 = vector.broadcast %reduce_sum3A_39 : f32 to vector<32x256xf32>
    %add3A_69 = arith.addf %add3A_67, %add3A_68 : vector<32x256xf32>
    %gt3A_70 = arith.constant 0.000000e+00 : f32
    %gt3A_71 = vector.broadcast %gt3A_70 : f32 to vector<32x256xf32>
    %gt3A_72 = arith.cmpf ogt, %add3A_69, %gt3A_71 : vector<32x256xf32>
    %mul3A_73 = arith.constant 2.000000e-01 : f32
    %mul3A_74 = vector.broadcast %mul3A_73 : f32 to vector<32x256xf32>
    %mul3A_75 = arith.mulf %mul3A_74, %add3A_69 : vector<32x256xf32>
    %select_n3A_76 = arith.select %gt3A_72, %add3A_69, %mul3A_75 : vector<32x256xi1>, vector<32x256xf32>
    %gt3A_77 = arith.constant 0.000000e+00 : f32
    %gt3A_78 = vector.broadcast %gt3A_77 : f32 to vector<32x4096xf32>
    %gt3A_79 = arith.cmpf ogt, %add3A_66, %gt3A_78 : vector<32x4096xf32>
    %mul3A_80 = arith.constant 2.000000e-01 : f32
    %mul3A_81 = vector.broadcast %mul3A_80 : f32 to vector<32x4096xf32>
    %mul3A_82 = arith.mulf %mul3A_81, %add3A_66 : vector<32x4096xf32>
    %select_n3A_83 = arith.select %gt3A_79, %add3A_66, %mul3A_82 : vector<32x4096xi1>, vector<32x4096xf32>
    %get3A_84 = arith.constant 0 : index
    %get3A_85 = arith.constant 0 : index
    %get3A_86 = vector.load %arg9[%get3A_84, %get3A_85] : memref<1x4096xf32, #tpu.memory_space<vmem>>, vector<1x4096xf32>
    %add3A_87 = vector.broadcast %get3A_86 : vector<1x4096xf32> to vector<32x4096xf32>
    %add3A_88 = arith.addf %select_n3A_83, %add3A_87 : vector<32x4096xf32>
    %iota3A_89 = tpu.iota {dimensions = array<i32: 1>} : vector<256x4096xi32>
    %jit3A = arith.constant 16 : i32
    %div3A = vector.broadcast %jit3A : i32 to vector<256x4096xi32>
    %div3A_90 = arith.divsi %iota3A_89, %div3A : vector<256x4096xi32>
    %sign3A = arith.constant 0 : i32
    %sign3A_91 = vector.broadcast %sign3A : i32 to vector<256x4096xi32>
    %sign3A_92 = arith.cmpi sgt, %iota3A_89, %sign3A_91 : vector<256x4096xi32>
    %sign3A_93 = arith.extui %sign3A_92 : vector<256x4096xi1> to vector<256x4096xi32>
    %sign3A_94 = arith.constant 0 : i32
    %sign3A_95 = vector.broadcast %sign3A_94 : i32 to vector<256x4096xi32>
    %sign3A_96 = arith.cmpi slt, %iota3A_89, %sign3A_95 : vector<256x4096xi32>
    %sign3A_97 = arith.extui %sign3A_96 : vector<256x4096xi1> to vector<256x4096xi32>
    %sign3A_98 = arith.subi %sign3A_93, %sign3A_97 : vector<256x4096xi32>
    %sign3A_99 = arith.constant 0 : i32
    %sign3A_100 = arith.cmpi sgt, %jit3A, %sign3A_99 : i32
    %sign3A_101 = arith.extui %sign3A_100 : i1 to i32
    %sign3A_102 = arith.constant 0 : i32
    %sign3A_103 = arith.cmpi slt, %jit3A, %sign3A_102 : i32
    %sign3A_104 = arith.extui %sign3A_103 : i1 to i32
    %sign3A_105 = arith.subi %sign3A_101, %sign3A_104 : i32
    %ne3A = vector.broadcast %sign3A_105 : i32 to vector<256x4096xi32>
    %ne3A_106 = arith.cmpi ne, %sign3A_98, %ne3A : vector<256x4096xi32>
    %rem3A = vector.broadcast %jit3A : i32 to vector<256x4096xi32>
    %rem3A_107 = arith.remsi %iota3A_89, %rem3A : vector<256x4096xi32>
    %ne3A_108 = arith.constant 0 : i32
    %ne3A_109 = vector.broadcast %ne3A_108 : i32 to vector<256x4096xi32>
    %ne3A_110 = arith.cmpi ne, %rem3A_107, %ne3A_109 : vector<256x4096xi32>
    %and3A = arith.andi %ne3A_106, %ne3A_110 : vector<256x4096xi1>
    %sub3A = arith.constant 1 : i32
    %sub3A_111 = vector.broadcast %sub3A : i32 to vector<256x4096xi32>
    %sub3A_112 = arith.subi %div3A_90, %sub3A_111 : vector<256x4096xi32>
    %select_n3A_113 = arith.select %and3A, %sub3A_112, %div3A_90 : vector<256x4096xi1>, vector<256x4096xi32>
    %iota3A_114 = tpu.iota {dimensions = array<i32: 0>} : vector<256x4096xi32>
    %eq3A_115 = arith.cmpi eq, %select_n3A_113, %iota3A_114 : vector<256x4096xi32>
    %convert_element_type3A_116 = arith.extui %eq3A_115 : vector<256x4096xi1> to vector<256x4096xi32>
    %convert_element_type3A_117 = arith.sitofp %convert_element_type3A_116 : vector<256x4096xi32> to vector<256x4096xf32>
    %iota3A_118 = tpu.iota {dimensions = array<i32: 0>} : vector<4096x256xi32>
    %jit3A_119 = arith.constant 16 : i32
    %div3A_120 = vector.broadcast %jit3A_119 : i32 to vector<4096x256xi32>
    %div3A_121 = arith.divsi %iota3A_118, %div3A_120 : vector<4096x256xi32>
    %sign3A_122 = arith.constant 0 : i32
    %sign3A_123 = vector.broadcast %sign3A_122 : i32 to vector<4096x256xi32>
    %sign3A_124 = arith.cmpi sgt, %iota3A_118, %sign3A_123 : vector<4096x256xi32>
    %sign3A_125 = arith.extui %sign3A_124 : vector<4096x256xi1> to vector<4096x256xi32>
    %sign3A_126 = arith.constant 0 : i32
    %sign3A_127 = vector.broadcast %sign3A_126 : i32 to vector<4096x256xi32>
    %sign3A_128 = arith.cmpi slt, %iota3A_118, %sign3A_127 : vector<4096x256xi32>
    %sign3A_129 = arith.extui %sign3A_128 : vector<4096x256xi1> to vector<4096x256xi32>
    %sign3A_130 = arith.subi %sign3A_125, %sign3A_129 : vector<4096x256xi32>
    %sign3A_131 = arith.constant 0 : i32
    %sign3A_132 = arith.cmpi sgt, %jit3A_119, %sign3A_131 : i32
    %sign3A_133 = arith.extui %sign3A_132 : i1 to i32
    %sign3A_134 = arith.constant 0 : i32
    %sign3A_135 = arith.cmpi slt, %jit3A_119, %sign3A_134 : i32
    %sign3A_136 = arith.extui %sign3A_135 : i1 to i32
    %sign3A_137 = arith.subi %sign3A_133, %sign3A_136 : i32
    %ne3A_138 = vector.broadcast %sign3A_137 : i32 to vector<4096x256xi32>
    %ne3A_139 = arith.cmpi ne, %sign3A_130, %ne3A_138 : vector<4096x256xi32>
    %rem3A_140 = vector.broadcast %jit3A_119 : i32 to vector<4096x256xi32>
    %rem3A_141 = arith.remsi %iota3A_118, %rem3A_140 : vector<4096x256xi32>
    %ne3A_142 = arith.constant 0 : i32
    %ne3A_143 = vector.broadcast %ne3A_142 : i32 to vector<4096x256xi32>
    %ne3A_144 = arith.cmpi ne, %rem3A_141, %ne3A_143 : vector<4096x256xi32>
    %and3A_145 = arith.andi %ne3A_139, %ne3A_144 : vector<4096x256xi1>
    %sub3A_146 = arith.constant 1 : i32
    %sub3A_147 = vector.broadcast %sub3A_146 : i32 to vector<4096x256xi32>
    %sub3A_148 = arith.subi %div3A_121, %sub3A_147 : vector<4096x256xi32>
    %select_n3A_149 = arith.select %and3A_145, %sub3A_148, %div3A_121 : vector<4096x256xi1>, vector<4096x256xi32>
    %iota3A_150 = tpu.iota {dimensions = array<i32: 1>} : vector<4096x256xi32>
    %eq3A_151 = arith.cmpi eq, %select_n3A_149, %iota3A_150 : vector<4096x256xi32>
    %convert_element_type3A_152 = arith.extui %eq3A_151 : vector<4096x256xi1> to vector<4096x256xi32>
    %convert_element_type3A_153 = arith.sitofp %convert_element_type3A_152 : vector<4096x256xi32> to vector<4096x256xf32>
    %dot_general3A_154 = arith.constant dense<0.000000e+00> : vector<32x4096xf32>
    %dot_general3A_155 = tpu.matmul %select_n3A_76, %convert_element_type3A_117, %dot_general3A_154 {dimension_numbers = #tpu.dot_dimension_numbers<[1], [0], [0], [1], [0, 0, 1, 1], [], []>, transpose_lhs_hint = false} : vector<32x256xf32>, vector<256x4096xf32>, vector<32x4096xf32> -> vector<32x4096xf32>
    %sub3A_156 = arith.subf %add3A_88, %dot_general3A_155 : vector<32x4096xf32>
    %exp3A = math.exp %sub3A_156 : vector<32x4096xf32>
    %get3A_157 = arith.constant 0 : index
    %get3A_158 = arith.constant 0 : index
    %get3A_159 = vector.load %arg8[%get3A_157, %get3A_158] : memref<1x4096xf32, #tpu.memory_space<vmem>>, vector<1x4096xf32>
    %exp3A_160 = math.exp %get3A_159 : vector<1x4096xf32>
    %dot_general3A_161 = arith.constant dense<0.000000e+00> : vector<1x256xf32>
    %dot_general3A_162 = tpu.matmul %exp3A_160, %convert_element_type3A_153, %dot_general3A_161 {dimension_numbers = #tpu.dot_dimension_numbers<[1], [0], [0], [1], [0, 0, 1, 1], [], []>, transpose_lhs_hint = false} : vector<1x4096xf32>, vector<4096x256xf32>, vector<1x256xf32> -> vector<1x256xf32>
    %dot_general3A_163 = arith.constant dense<0.000000e+00> : vector<32x256xf32>
    %dot_general3A_164 = tpu.matmul %exp3A, %convert_element_type3A_153, %dot_general3A_163 {dimension_numbers = #tpu.dot_dimension_numbers<[1], [0], [0], [1], [0, 0, 1, 1], [], []>, transpose_lhs_hint = false} : vector<32x4096xf32>, vector<4096x256xf32>, vector<32x256xf32> -> vector<32x256xf32>
    %add3A_165 = vector.broadcast %dot_general3A_162 : vector<1x256xf32> to vector<32x256xf32>
    %add3A_166 = arith.addf %dot_general3A_164, %add3A_165 : vector<32x256xf32>
    %dot_general3A_167 = arith.constant dense<0.000000e+00> : vector<32x4096xf32>
    %dot_general3A_168 = tpu.matmul %add3A_166, %convert_element_type3A_117, %dot_general3A_167 {dimension_numbers = #tpu.dot_dimension_numbers<[1], [0], [0], [1], [0, 0, 1, 1], [], []>, transpose_lhs_hint = false} : vector<32x256xf32>, vector<256x4096xf32>, vector<32x4096xf32> -> vector<32x4096xf32>
    %div3A_169 = vector.broadcast %exp3A_160 : vector<1x4096xf32> to vector<32x4096xf32>
    %div3A_170 = arith.divf %div3A_169, %dot_general3A_168 : vector<32x4096xf32>
    %div3A_171 = arith.divf %exp3A, %dot_general3A_168 : vector<32x4096xf32>
    %reshape3A_172 = vector.shape_cast %div3A_170 : vector<32x4096xf32> to vector<32x256x16xf32>
    %reshape3A_173 = vector.shape_cast %div3A_171 : vector<32x4096xf32> to vector<32x256x16xf32>
    %concatenate3A_174 = tpu.concatenate %reshape3A_172, %reshape3A_173 in 2 : vector<32x256x16xf32>, vector<32x256x16xf32> -> vector<32x256x32xf32>
    %swap3A_175 = arith.constant 0 : index
    %swap3A_176 = arith.constant 0 : index
    %swap3A_177 = arith.constant 0 : index
    %swap3A_178 = vector.load %arg11[%swap3A_175, %swap3A_176, %swap3A_177] : memref<32x256x32xf32, #tpu.memory_space<vmem>>, vector<32x256x32xf32>
    tpu.vector_store %arg11[%swap3A_175, %swap3A_176, %swap3A_177], %concatenate3A_174 {strides = array<i32>} : memref<32x256x32xf32, #tpu.memory_space<vmem>>, vector<32x256x32xf32>,
    return
  }
  func.func @transform_0(%arg0: i32) -> (i32, i32, i32) {
    %c0_i32 = arith.constant 0 : i32
    %c0_i32_0 = arith.constant 0 : i32
    %c0_i32_1 = arith.constant 0 : i32
    %c0_i32_2 = arith.constant 0 : i32
    return %c0_i32, %c0_i32_0, %c0_i32_1 : i32, i32, i32
  }
  func.func @transform_1(%arg0: i32) -> (i32, i32) {
    %c0_i32 = arith.constant 0 : i32
    %c0_i32_0 = arith.constant 0 : i32
    %c0_i32_1 = arith.constant 0 : i32
    return %c0_i32, %c0_i32_0 : i32, i32
  }
  func.func @transform_2(%arg0: i32) -> (i32, i32) {
    %c0_i32 = arith.constant 0 : i32
    %c0_i32_0 = arith.constant 0 : i32
    %c0_i32_1 = arith.constant 0 : i32
    return %c0_i32, %c0_i32_0 : i32, i32
  }
  func.func @transform_3(%arg0: i32) -> (i32, i32) {
    %c0_i32 = arith.constant 0 : i32
    %c0_i32_0 = arith.constant 0 : i32
    %c0_i32_1 = arith.constant 0 : i32
    return %c0_i32, %c0_i32_0 : i32, i32
  }
  func.func @transform_4(%arg0: i32) -> (i32, i32) {
    %c0_i32 = arith.constant 0 : i32
    %c0_i32_0 = arith.constant 0 : i32
    %c0_i32_1 = arith.constant 0 : i32
    return %c0_i32, %c0_i32_0 : i32, i32
  }
  func.func @transform_5(%arg0: i32) -> (i32, i32) {
    %c0_i32 = arith.constant 0 : i32
    %c0_i32_0 = arith.constant 0 : i32
    %c0_i32_1 = arith.constant 0 : i32
    return %c0_i32, %c0_i32_0 : i32, i32
  }
  func.func @transform_6(%arg0: i32) -> (i32, i32) {
    %c0_i32 = arith.constant 0 : i32
    %c0_i32_0 = arith.constant 0 : i32
    %c0_i32_1 = arith.constant 0 : i32
    return %c0_i32, %c0_i32_0 : i32, i32
  }
  func.func @transform_7(%arg0: i32) -> (i32, i32) {
    %c0_i32 = arith.constant 0 : i32
    %c0_i32_0 = arith.constant 0 : i32
    %c0_i32_1 = arith.constant 0 : i32
    return %c0_i32, %c0_i32_0 : i32, i32
  }
  func.func @transform_8(%arg0: i32) -> (i32, i32) {
    %c0_i32 = arith.constant 0 : i32
    %c0_i32_0 = arith.constant 0 : i32
    %c0_i32_1 = arith.constant 0 : i32
    return %c0_i32, %c0_i32_0 : i32, i32
  }
  func.func @transform_9(%arg0: i32) -> (i32, i32) {
    %c0_i32 = arith.constant 0 : i32
    %c0_i32_0 = arith.constant 0 : i32
    %c0_i32_1 = arith.constant 0 : i32
    return %c0_i32, %c0_i32_0 : i32, i32
  }
  func.func @transform_10(%arg0: i32) -> (i32, i32, i32) {
    %c0_i32 = arith.constant 0 : i32
    %c0_i32_0 = arith.constant 0 : i32
    %c0_i32_1 = arith.constant 0 : i32
    %c0_i32_2 = arith.constant 0 : i32
    return %c0_i32, %c0_i32_0, %c0_i32_1 : i32, i32, i32
  }
}

</mosaic_0001>

<sc_bundles>
// kernel: kernel.4.cloned.1.call-start
scs
__scs_entry_jumppad:
0x0: {  	(pc) =	sbr.rel $0x88, $3  }
0x1: {  	(tag) =	ssettag $0x0;
	lr =	simm.s32 $0x1  }
0x2: {  	[smem:$0x3F9B] =	sst lr;
	_ =	strace $0xD0000000  }
0x3: {  	_ = 	snop  }
0x4: {  	_ = 	snop  }
0x5: {  	_ = 	snop  }
0x6: {  	_ = 	snop  }
0x7: {  	_ = 	snop  }
__scs_overlays_trampoline_lowered:
0x8: {  	[smem:$0x3FAA] =	sst s0  }
0x9: {  	[smem:$0x3FAB] =	sst s1  }
0xa: {  	[smem:$0x3FAC] =	sst s2  }
0xb: {  	[smem:$0x3FAD] =	sst s3  }
0xc: {  	[smem:$0x3FAE] =	sst s4  }
0xd: {  	[smem:$0x3FAF] =	sst s5  }
0xe: {  	[smem:$0x3FB0] =	sst s6  }
0xf: {  	[smem:$0x3FB1] =	sst s7  }
0x10: {  	[smem:$0x3FB2] =	sst s8  }
0x11: {  	[smem:$0x3FB3] =	sst s9;
	s0 =	simm.s32 @!p0 $0x0  }
0x12: {  	s1 =	sld [smem:$0x3F99];
	s0 =	simm.s32 @p0 $0x1  }
0x13: {  	[smem:$0x3FB4] =	sst s0;
	s0 =	simm.s32 @!p1 $0x0  }
0x14: {  	s2 =	sld [smem:$0x3F98];
	s0 =	simm.s32 @p1 $0x1  }
0x15: {  	[smem:$0x3FB5] =	sst s0;
	s0 =	simm.s32 @!p2 $0x0  }
0x16: {  	s3 =	sld [smem:$0x3FDB];
	s0 =	simm.s32 @p2 $0x1  }
0x17: {  	s4 =	simm.s32 $0x1BF5;
	[smem:$0x3FB7] =	sst s0  }
0x18: {  	s0 =	sld [smem:$0x3F9A];
	_ =	swait.ge [sflag:s4], $0x0  }
0x19: {  	s7 =	sld [smem:$0x3F9B]  }
0x1a: {  	s8 =	sadd.s32 $0xFFFFE003, lr  }
0x1b: {  	s9 =	sadd.s32 $0xFFFFFEF7, lr;
	s5 =	simm.s32 $0xFFFFFFFF;
	p2 =	slt.u32 s8, $0xFFFFF086  }
0x1c: {  	p1 =	slt.u32 s9, $0xF7A;
	s5 =	simm.s32 @!p2 $0x0  }
0x1d: {  	s5 =	simm.s32 @p1 $0x1;
	p0 =	seq.s32 s7, s2  }
0x1e: {  	s7 =	smul.u32 @!p0 $0xF7A, s2;
	p2 =	seq.s32 @!p0 s5, $0x0  }
0x1f: {  	s9 =	smul.u32 $0xF7A, s1;
	s8 =	simm.s32 @!p0 $0x1BF5;
	p2 =	por !p2, p0  }
0x20: {  	[sflag:s8] =	ssyncset.s32 @!p0 $0xFFFFF086;
	s6 =	sadd.s32 @!p0 s3, s7;
	s7 =	simm.s32 @!p0 $0x108  }
0x21: {  	s3 =	sadd.s32 s3, s9;
	s6 =	sadd.s32 @!p0 $0x88, s6;
	s7 =	simm.s32 @p2 $0x1082  }
0x22: {  	[simem:s7], [sflag:s8] =	dma.local @!p0 [hbm:s6], $0xF7A  }
0x23: {  	s9 =	sor.u32 $0xD0000000, s2;
	s6 =	simm.s32 $0x108;
	_ =	swait.ge @!p0 [sflag:s8], $0x0  }
0x24: {  	s3 =	sadd.s32 $0x88, s3;
	s6 =	simm.s32 @!p1 $0x1082;
	[sflag:s4] =	ssyncset.s32 $0xFFFFF086  }
0x25: {  	[simem:s6], [sflag:s4] =	dma.local [hbm:s3], $0xF7A  }
0x26: {  	[smem:$0x3F9B] =	sst s1;
	(tag) =	ssettag s2;
	_ =	strace s9  }
0x27: {  	s1 =	sld [smem:$0x3FAB]  }
0x28: {  	s2 =	sld [smem:$0x3FAC]  }
0x29: {  	s4 =	sld [smem:$0x3FAE]  }
0x2a: {  	p0 =	seq.s32 s5, $0x0;
	s5 =	sld [smem:$0x3FAF]  }
0x2b: {  	s6 =	sld [smem:$0x3FB0]  }
0x2c: {  	s7 =	sld [smem:$0x3FB1]  }
0x2d: {  	s3 =	simm.s32 $0x108;
	s8 =	sld [smem:$0x3FB2]  }
0x2e: {  	s3 =	simm.s32 @!p0 $0x1082;
	s9 =	sld [smem:$0x3FB3]  }
0x2f: {  	lr =	sadd.s32 s0, s3;
	s0 =	sld [smem:$0x3FAA]  }
0x30: {  	s3 =	sld [smem:$0x3FAD]  }
0x31: {  	[smem:$0x3FB6] =	sst s10  }
0x32: {  	s10 =	sld [smem:$0x3FB4];
	_ =	sdelay $0x3  }
0x33: {  	p0 =	seq.s32 s10, $0x1;
	s10 =	sld [smem:$0x3FB6];
	_ =	sdelay $0x3  }
0x34: {  	[smem:$0x3FB6] =	sst s10  }
0x35: {  	s10 =	sld [smem:$0x3FB5];
	_ =	sdelay $0x3  }
0x36: {  	p1 =	seq.s32 s10, $0x1;
	s10 =	sld [smem:$0x3FB6];
	_ =	sdelay $0x3  }
0x37: {  	[smem:$0x3FB6] =	sst s10  }
0x38: {  	s10 =	sld [smem:$0x3FB7]  }
0x39: {  	_ = 	snop;
	(pc) =	sbr.ind lr, $3  }
0x3a: {  	_ = 	snop  }
0x3b: {  	_ = 	snop  }
0x3c: {  	p2 =	seq.s32 s10, $0x1;
	s10 =	sld [smem:$0x3FB6]  }
0x3d: {  	_ =	shalt  }
0x3e: {  	_ =	shalt  }
0x3f: {  	_ =	shalt  }
0x40: {  	_ =	shalt  }
0x41: {  	_ =	shalt  }
0x42: {  	_ =	shalt  }
0x43: {  	_ =	shalt  }
0x44: {  	_ =	shalt  }
0x45: {  	_ =	shalt  }
0x46: {  	_ =	shalt  }
0x47: {  	_ =	shalt  }
0x48: {  	_ =	shalt  }
0x49: {  	_ =	shalt  }
0x4a: {  	_ =	shalt  }
0x4b: {  	_ =	shalt  }
0x4c: {  	_ =	shalt  }
0x4d: {  	_ =	shalt  }
0x4e: {  	_ =	shalt  }
0x4f: {  	_ =	shalt  }
0x50: {  	_ =	shalt  }
0x51: {  	_ =	shalt  }
0x52: {  	_ =	shalt  }
0x53: {  	_ =	shalt  }
0x54: {  	_ =	shalt  }
0x55: {  	_ =	shalt  }
0x56: {  	_ =	shalt  }
0x57: {  	_ =	shalt  }
0x58: {  	_ =	shalt  }
0x59: {  	_ =	shalt  }
0x5a: {  	_ =	shalt  }
0x5b: {  	_ =	shalt  }
0x5c: {  	_ =	shalt  }
0x5d: {  	_ =	shalt  }
0x5e: {  	_ =	shalt  }
0x5f: {  	_ =	shalt  }
0x60: {  	_ =	shalt  }
0x61: {  	_ =	shalt  }
0x62: {  	_ =	shalt  }
0x63: {  	_ =	shalt  }
0x64: {  	_ =	shalt  }
0x65: {  	_ =	shalt  }
0x66: {  	_ =	shalt  }
0x67: {  	_ =	shalt  }
0x68: {  	_ =	shalt  }
0x69: {  	_ =	shalt  }
0x6a: {  	_ =	shalt  }
0x6b: {  	_ =	shalt  }
0x6c: {  	_ =	shalt  }
0x6d: {  	_ =	shalt  }
0x6e: {  	_ =	shalt  }
0x6f: {  	_ =	shalt  }
0x70: {  	_ =	shalt  }
0x71: {  	_ =	shalt  }
0x72: {  	_ =	shalt  }
0x73: {  	_ =	shalt  }
0x74: {  	_ =	shalt  }
0x75: {  	_ =	shalt  }
0x76: {  	_ =	shalt  }
0x77: {  	_ =	shalt  }
0x78: {  	_ =	shalt  }
0x79: {  	_ =	shalt  }
0x7a: {  	_ =	shalt  }
0x7b: {  	_ =	shalt  }
0x7c: {  	_ =	shalt  }
0x7d: {  	_ =	shalt  }
0x7e: {  	_ =	shalt  }
0x7f: {  	_ =	shalt  }
0x80: {  	_ =	shalt  }
0x81: {  	_ =	shalt  }
0x82: {  	_ =	shalt  }
0x83: {  	_ =	shalt  }
0x84: {  	_ =	shalt  }
0x85: {  	_ =	shalt  }
0x86: {  	_ =	shalt  }
0x87: {  	_ =	shalt  }
.Lfunc_end0:
.L_simem_size_0:
called_computation_lowered:
.L_overlay_start_0:
0x88: {  	s2 =	sld [smem:$0x3FD9]  }
0x89: {  	s3 =	sld [smem:$0x3FFE];
	_ =	sdelay $0x1  }
0x8a: {  	s1 =	srdreg.scid  }
0x8b: {  	s0 =	sand.u32 $0x1, s1  }
0x8c: {  	s17 =	sshll.u32 s0, $0xA;
	s2 =	sadd.s32 s3, s2  }
0x8d: {  	s2 =	sadd.s32 s2, s17  }
0x8e: {  	[smem:$0x3FC2] =	sst s2  }
0x8f: {  	_ = 	snop  }
0x90: {  	s2 =	sld [smem:$0x3FD0];
	(tm) =	ssettm $0x1  }
0x91: {  	s18 =	sld [smem:$0x3FFB];
	_ =	sdelay $0x3  }
0x92: {  	_ =	strace s18  }
0x93: {  	s3 =	sld [smem:$0x3FFC];
	_ =	sdelay $0x3  }
0x94: {  	_ =	strace s3  }
0x95: {  	s3 =	sld [smem:$0x3FFD];
	_ =	sdelay $0x3  }
0x96: {  	_ =	strace s3  }
0x97: {  	_ =	strace $0x8FFFFFFF  }
0x98: {  	s19 =	sld [smem:$0x3FDB];
	_ =	sdelay $0x1  }
0x99: {  	s4 =	simm.s32 $_scs_section_size  }
0x9a: {  	s5 =	simm.s32 $_size__tile_overlayer_lowered;
	s6 =	simm.s32 $_tile_overlayer_lowered  }
0x9b: {  	s22 =	simm.s32 $0x1BFF;
	s21 =	sshll.u32 s6, $0x1;
	s3 =	sadd.s32 s4, s19  }
0x9c: {  	s7 =	simm.s32 $0x0;
	s20 =	sshll.u32 s5, $0x1;
	s5 =	sadd.s32 s21, s3  }
0x9d: {  	[timem:s7], [sflag:s22] =	dma.local [hbm:s5], s20  }
0x9e: {  	_ =	swait.ge [sflag:s22], s20  }
0x9f: {  	s4 =	ssub.s32 $0x0, s20;
	[sflag:s22] =	ssyncset.done $0x0  }
0xa0: {  	[sflag:s22] =	ssyncadd.s32 s4;
	_ =	sdelay $0x1  }
0xa1: {  	s23 =	simm.s32 $0x1B8B  }
0xa2: {  	_ =	swait.ge [sflag:s23], $0x1  }
0xa3: {  	[sflag:s23] =	ssyncset.done $0x0  }
0xa4: {  	s25 =	simm.s32 $0x1B8E;
	s24 =	sld [smem:$0x3FFE];
	[sflag:s23] =	ssyncadd.s32 $0xFFFFFFFF  }
0xa5: {  	s26 =	simm.s32 $execute0_lowered;
	[smem:$0x3FD2] =	sst s25  }
0xa6: {  	s5 =	sshll.u32 s26, $0x1;
	_ =	strace $0x80000046;
	[dreg:$0x1] =	wrdreg $0xFFFFFFFF  }
0xa7: {  	s28 =	simm.s32 $_size_execute0_lowered;
	s3 =	sadd.s32 s3, s5;
	[dreg:$0x0] =	wrdreg $0x0  }
0xa8: {  	s5 =	sshll.u32 s28, $0x1;
	[dreg:$0x2] =	wrdreg s3  }
0xa9: {  	[dreg:$0x3] =	wrdreg s5  }
0xaa: {  	[dreg:$0x4] =	wrdreg $0xC0  }
0xab: {  	_ =	task [dreg:s7], $0x5FFFF  }
0xac: {  	[dreg:$0x1] =	wrdreg $0xFFFFFFFF  }
0xad: {  	[dreg:$0x0] =	wrdreg $0x60  }
0xae: {  	[dreg:$0x2] =	wrdreg s24  }
0xaf: {  	[dreg:$0x3] =	wrdreg s2  }
0xb0: {  	[dreg:$0x4] =	wrdreg $0x9  }
0xb1: {  	_ =	task.clear_ibuf [dreg:s7], $0x5FFFF;
	_ =	strace $0x90000046  }
0xb2: {  	s29 =	simm.s32 $0x9;
	_ =	strace $0x80000048  }
0xb3: {  	_ =	swait.ge [sflag:s29], $0x1  }
0xb4: {  	[sflag:s29] =	ssyncadd.s32 $0xFFFFFFFF  }
0xb5: {  	_ =	strace $0x90000048  }
0xb6: {  	_ =	sfence  }
0xb7: {  	s30 =	sld [smem:$0x0];
	_ =	sdelay $0x2  }
0xb8: {  	s31 =	sshll.u32 s1, $0xD;
	s1 =	sshrl.u32 s1, $0x2  }
0xb9: {  	s3 =	sand.u32 $0x4000, s31;
	s1 =	sadd.s32 s1, s30  }
0xba: {  	s0 =	sor.u32 s3, s0;
	s1 =	sshll.u32 s1, $0x11  }
0xbb: {  	s0 =	sor.u32 s1, s0  }
0xbc: {  	s0 =	sadd.s32 $0x8F2B, s0  }
0xbd: {  	[sflag:s0] =	ssyncadd.remote.s32 $0x1  }
0xbe: {  	_ =	sfence.sel $0xFFFF  }
0xbf: {  	[dreg:$0x0] =	wrdreg $0xFFFFFFFF;
	(pc) =	sbr.abs _section_cstart, $3  }
0xc0: {  	[dreg:$0x1] =	wrdreg $0xFFFFFFFF  }
0xc1: {  	_ =	task.clear_ibuf [dreg:s7], $0x2FFFF;
	_ =	strace $0x9FFFFFFF  }
0xc2: {  	(tm) =	ssettm $0x7FFFFFFF  }
0xc3: {  	_ =	shalt  }
tec
execute0_lowered:
.L_overlay_start_1:
0x0: {  	(tag) =	ssettag $0x1  }
0x1: {  	s0 =	srdreg.scid;
	s3 =	rddreg [dreg:$0x0]  }
0x2: {  	s6 =	rddreg [dreg:$0x1];
	s1 =	stileid.u32;
	s2 =	simm.s32 $0x0  }
0x3: {  	s11 =	simm.s32 $0x400;
	s12 =	simm.s32 $0xA080;
	s13 =	simm.s32 $0xC100  }
0x4: {  	s14 =	simm.s32 $0x14100;
	s15 =	simm.s32 $0x1;
	s16 =	simm.s32 $0x2  }
0x5: {  	s17 =	simm.s32 $0x0;
	s4 =	sand.u32 $0x1, s0;
	s0 =	rddreg [dreg:$0x2]  }
0x6: {  	[smem:$0x7FF] =	sst s2;
	s8 =	sshll.u32 s1, $0x4;
	s5 =	sshll.u32 s4, $0x4  }
0x7: {  	_ =	strace $0x80000047;
	s8 =	sand.u32 $0x70, s8;
	s4 =	ssub.s32 $0x2, s4  }
0x8: {  	s7 =	sor.u32 s1, s5;
	s8 =	sadd.s32 s8, s3;
	s10 =	sshrl.u32 s4, $0x1  }
0x9: {  	s5 =	sshll.u32 s7, $0xC;
	s9 =	sshll.u32 s7, $0xA;
	s10 =	ssub.s32 s4, s10  }
0xa: {  	v1 =	vimm.s32 $0x0;
	vm0 =	vcmask $0x300;
	v0 =	vlaneseq.u32;
	s7 =	sshll.u32 s7, $0x11;
	s5 =	sadd.s32 s5, s3;
	s9 =	sand.u32 $0x6000, s9  }
0xb: {  	v1 =	vsel vm0, $0x7, v1;
	v2 =	vor.u32 $0x10, v0;
	s3 =	sadd.s32 $0xE00, s3;
	s6 =	sadd.s32 s6, s7;
	s7 =	smax.u32 s10, $0x1  }
0xc: {  	v3 =	vor.u32 $0x20, v0;
	v4 =	vor.u32 $0x30, v0;
	v5 =	vor.u32 $0x40, v0;
	s10 =	simm.s32 $0x80;
	s8 =	sadd.s32 s9, s8;
	s4 =	sadd.s32 $0x1200, s5  }
0xd: {  	v6 =	vor.u32 $0x50, v0;
	v7 =	vor.u32 $0x60, v0;
	v8 =	vor.u32 $0x70, v0;
	s9 =	simm.s32 $0x8000;
	s5 =	sadd.s32 $0x21200, s8;
	s8 =	simm.s32 $0x3  }
.LBB2_1:
0xe: {  	[tilespmem:s2], [sflag:$0x3] =	stream.linear.gather [hbm4b:s4+s2], $0x8000, $0x38;
	[tilespmem:$0x1C100] =	vst v63  }
0xf: {  	_ =	swait.ge [sflag:s8], $0x8000  }
0x10: {  	[sflag:s8] =	ssyncset.done $0x0  }
0x11: {  	[sflag:s8] =	ssyncadd.s32 $0xFFFF8000  }
0x12: {  	[tilespmem:s9], [sflag:$0x3] =	stream.linear.gather [hbm4b:s3+s2], $0x2000, $0x38;
	[tilespmem:$0x1C100] =	vst v63  }
0x13: {  	_ =	swait.ge [sflag:s8], $0x2000  }
0x14: {  	[sflag:s8] =	ssyncset.done $0x0  }
0x15: {  	[sflag:s8] =	ssyncadd.s32 $0xFFFFE000  }
0x16: {  	[tilespmem:s12], [sflag:$0x3] =	stream.strided.gather [hbm4b:s5+s10], $0x2000, s11, s10, $0x38;
	[tilespmem:$0x1C100] =	vst v63  }
0x17: {  	s18 =	simm.s32 $0xA084;
	_ =	swait.ge [sflag:s8], $0x2000  }
0x18: {  	s19 =	simm.s32 $0x8004;
	s20 =	simm.s32 $0xA187;
	[sflag:s8] =	ssyncset.done $0x0  }
0x19: {  	s21 =	simm.s32 $0x8107;
	s22 =	simm.s32 $0x0;
	[sflag:s8] =	ssyncadd.s32 $0xFFFFE000  }
.LBB2_2:
0x1a: {  	p0 =	seq.s32 s22, $0x0  }
0x1b: {  	s23 =	simm.s32 @!p0 $0x1  }
0x1c: {  	_ =	swait.ge @!p0 [sflag:s23], $0x8000  }
0x1d: {  	[sflag:s23] =	ssyncset.done @!p0 $0x0  }
0x1e: {  	[sflag:s23] =	ssyncadd.s32 @!p0 $0xFFFF8000  }
0x1f: {  	v9 =	vld [tilespmem:s19+$0xFFFFFFFC];
	_ =	sdelay $0x4  }
0x20: {  	v9 =	vshll.u32 v9, v1  }
0x21: {  	v14 =	vbroadcast v9, $0x0;
	_ =	sdelay $0x1  }
0x22: {  	v9 =	vor.u32 v0, v14;
	_ =	sdelay $0x3  }
0x23: {  	v17 =	vld.msk [tilespmem:s18+$0xFFFFFFFC ss:$0x0], $0xffff  }
0x24: {  	v9 =	vld.idx.msk [tilespmem:v9+s2+$0x0], $0xffff;
	_ =	sdelay $0x2  }
0x25: {  	v10 =	vor.u32 v2, v14;
	_ =	sdelay $0x1  }
0x26: {  	v9 =	vmul.f32 v17, v9  }
0x27: {  	s24 =	simm.s32 $0xC300  }
0x28: {  	[tilespmem:s24+$0xFFFFFE00] =	vst v9  }
0x29: {  	v9 =	vld.idx.msk [tilespmem:v10+s2+$0x0], $0xffff;
	_ =	sdelay $0x2  }
0x2a: {  	v10 =	vor.u32 v3, v14;
	_ =	sdelay $0x1  }
0x2b: {  	v9 =	vmul.f32 v9, v17;
	_ =	sdelay $0x1  }
0x2c: {  	[tilespmem:s24+$0xFFFFFE10] =	vst v9  }
0x2d: {  	v9 =	vld.idx.msk [tilespmem:v10+s2+$0x0], $0xffff;
	_ =	sdelay $0x2  }
0x2e: {  	v10 =	vor.u32 v4, v14;
	_ =	sdelay $0x1  }
0x2f: {  	v15 =	vld [tilespmem:s19+$0x1];
	v9 =	vmul.f32 v9, v17  }
0x30: {  	v12 =	vld.msk [tilespmem:s18+$0xFFFFFFFE ss:$0x0], $0xffff  }
0x31: {  	v11 =	vld.msk [tilespmem:s18+$0xFFFFFFFF ss:$0x0], $0xffff;
	[tilespmem:s24+$0xFFFFFE20] =	vst v9  }
0x32: {  	v9 =	vld.idx.msk [tilespmem:v10+s2+$0x0], $0xffff  }
0x33: {  	v13 =	vld.msk [tilespmem:s18+$0xFFFFFFFD ss:$0x0], $0xffff  }
0x34: {  	v15 =	vshll.u32 v15, v1;
	v10 =	vld [tilespmem:s19+$0x2]  }
0x35: {  	v18 =	vld [tilespmem:s19+$0x3];
	v27 =	vbroadcast v15, $0x0;
	v16 =	vor.u32 v5, v14  }
0x36: {  	v19 =	vld [tilespmem:s19+$0xFFFFFFFF]  }
0x37: {  	v20 =	vld [tilespmem:s19+$0x0];
	v25 =	vor.u32 v0, v27;
	v9 =	vmul.f32 v9, v17  }
0x38: {  	v22 =	vld [tilespmem:s19+$0xFFFFFFFE]  }
0x39: {  	v10 =	vshll.u32 v10, v1;
	[tilespmem:s24+$0xFFFFFE30] =	vst v9;
	v9 =	vld [tilespmem:s19+$0xFFFFFFFD]  }
0x3a: {  	s26 =	sadd.s32 $0x8, s19;
	v29 =	vbroadcast v10, $0x0;
	v10 =	vld.idx.msk [tilespmem:v16+s2+$0x0], $0xffff  }
0x3b: {  	v31 =	vld [tilespmem:s26+$0xFFFFFFFC];
	v16 =	vshll.u32 v18, v1  }
0x3c: {  	v33 =	vld.idx.msk [tilespmem:v25+s2+$0x0], $0xffff;
	v15 =	vor.u32 v0, v29;
	v24 =	vbroadcast v16, $0x0  }
0x3d: {  	v30 =	vor.u32 v6, v14;
	v18 =	vld.msk [tilespmem:s18+$0x1 ss:$0x0], $0xffff;
	v16 =	vshll.u32 v20, v1  }
0x3e: {  	v23 =	vld.msk [tilespmem:s18+$0x0 ss:$0x0], $0xffff;
	v28 =	vbroadcast v16, $0x0;
	v32 =	vor.u32 v0, v24;
	v9 =	vshll.u32 v9, v1  }
0x3f: {  	v20 =	vld.msk [tilespmem:s18+$0x2 ss:$0x0], $0xffff;
	v16 =	vshll.u32 v19, v1;
	v26 =	vbroadcast v9, $0x0;
	v9 =	vmul.f32 v10, v17  }
0x40: {  	v35 =	vor.u32 v2, v27;
	v21 =	vbroadcast v16, $0x0;
	v16 =	vld.msk [tilespmem:s18+$0x3 ss:$0x0], $0xffff  }
0x41: {  	v19 =	vor.u32 v0, v28;
	v15 =	vld.idx.msk [tilespmem:v15+s2+$0x0], $0xffff;
	v10 =	vshll.u32 v31, v1;
	[tilespmem:s24+$0xFFFFFE40] =	vst v9  }
0x42: {  	v33 =	vmul.f32 v18, v33;
	v34 =	vor.u32 v0, v26;
	v9 =	vshll.u32 v22, v1;
	v22 =	vld.idx.msk [tilespmem:v30+s2+$0x0], $0xffff  }
0x43: {  	s28 =	sadd.s32 $0x8, s18;
	v10 =	vbroadcast v10, $0x0;
	v30 =	vor.u32 v0, v21;
	v32 =	vld.idx.msk [tilespmem:v32+s2+$0x0], $0xffff  }
0x44: {  	v31 =	vor.u32 v2, v29;
	[tilespmem:s24+$0x80] =	vst v33;
	v25 =	vbroadcast v9, $0x0;
	v9 =	vld.msk [tilespmem:s28+$0xFFFFFFFC ss:$0x0], $0xffff  }
0x45: {  	v37 =	vor.u32 v0, v10;
	v35 =	vld.idx.msk [tilespmem:v35+s2+$0x0], $0xffff  }
0x46: {  	v19 =	vld.idx.msk [tilespmem:v19+s2+$0x0], $0xffff;
	v36 =	vor.u32 v0, v25;
	v15 =	vmul.f32 v20, v15  }
0x47: {  	v38 =	vor.u32 v2, v24;
	v34 =	vld.idx.msk [tilespmem:v34+s2+$0x0], $0xffff  }
0x48: {  	[tilespmem:s24+$0x100] =	vst v15;
	v15 =	vor.u32 v7, v14;
	v30 =	vld.idx.msk [tilespmem:v30+s2+$0x0], $0xffff  }
0x49: {  	v62 =	vor.u32 v2, v28;
	v31 =	vld.idx.msk [tilespmem:v31+s2+$0x0], $0xffff;
	v32 =	vmul.f32 v16, v32  }
0x4a: {  	v39 =	vor.u32 v2, v26;
	v22 =	vmul.f32 v22, v17;
	v37 =	vld.idx.msk [tilespmem:v37+s2+$0x0], $0xffff  }
0x4b: {  	v40 =	vor.u32 v2, v21;
	v19 =	vmul.f32 v23, v19;
	v36 =	vld.idx.msk [tilespmem:v36+s2+$0x0], $0xffff;
	[tilespmem:s24+$0x180] =	vst v32  }
0x4c: {  	v63 =	vor.u32 v3, v29;
	[tilespmem:s24+$0xFFFFFE50] =	vst v22;
	v44 =	vld.idx.msk [tilespmem:v38+s2+$0x0], $0xffff;
	v22 =	vmul.f32 v13, v34  }
0x4d: {  	[tilespmem:s24+$0x0] =	vst v19;
	v19 =	vor.u32 v3, v27;
	v15 =	vld.idx.msk [tilespmem:v15+s2+$0x0], $0xffff;
	v30 =	vmul.f32 v11, v30  }
0x4e: {  	v45 =	vor.u32 v2, v25;
	v31 =	vmul.f32 v31, v20;
	[tilespmem:s24+$0xFFFFFE80] =	vst v22;
	v22 =	vld.idx.msk [tilespmem:v62+s2+$0x0], $0xffff  }
0x4f: {  	v46 =	vor.u32 v2, v10;
	v39 =	vld.idx.msk [tilespmem:v39+s2+$0x0], $0xffff;
	[tilespmem:s24+$0xFFFFFF80] =	vst v30;
	v30 =	vmul.f32 v35, v18  }
0x50: {  	v47 =	vor.u32 v3, v24;
	v36 =	vmul.f32 v12, v36;
	[tilespmem:s24+$0x110] =	vst v31;
	v40 =	vld.idx.msk [tilespmem:v40+s2+$0x0], $0xffff  }
0x51: {  	v14 =	vor.u32 v8, v14;
	v31 =	vmul.f32 v9, v37;
	[tilespmem:s24+$0x90] =	vst v30;
	v30 =	vld.idx.msk [tilespmem:v63+s2+$0x0], $0xffff  }
0x52: {  	s25 =	simm.s32 $0xC700;
	v34 =	vmul.f32 v44, v16;
	[tilespmem:s24+$0xFFFFFF00] =	vst v36;
	v19 =	vld.idx.msk [tilespmem:v19+s2+$0x0], $0xffff  }
0x53: {  	v48 =	vor.u32 v3, v28;
	[tilespmem:s25+$0xFFFFFE00] =	vst v31;
	v15 =	vmul.f32 v15, v17;
	v36 =	vld.idx.msk [tilespmem:v45+s2+$0x0], $0xffff  }
0x54: {  	v49 =	vor.u32 v3, v26;
	v33 =	vld.idx.msk [tilespmem:v46+s2+$0x0], $0xffff;
	[tilespmem:s24+$0x190] =	vst v34  }
0x55: {  	v54 =	vor.u32 v3, v21;
	v22 =	vmul.f32 v22, v23;
	[tilespmem:s24+$0xFFFFFE60] =	vst v15;
	v15 =	vld.idx.msk [tilespmem:v47+s2+$0x0], $0xffff  }
0x56: {  	v50 =	vor.u32 v4, v29;
	v31 =	vld.idx.msk [tilespmem:v14+s2+$0x0], $0xffff;
	v51 =	vmul.f32 v39, v13  }
0x57: {  	v14 =	vld.msk [tilespmem:s28+$0xFFFFFFFE ss:$0x0], $0xffff;
	[tilespmem:s24+$0x10] =	vst v22;
	v22 =	vor.u32 v4, v27;
	v55 =	vmul.f32 v40, v11  }
0x58: {  	v52 =	vor.u32 v3, v25;
	v32 =	vld.idx.msk [tilespmem:v48+s2+$0x0], $0xffff;
	v30 =	vmul.f32 v30, v20;
	[tilespmem:s24+$0xFFFFFE90] =	vst v51  }
0x59: {  	v53 =	vor.u32 v3, v10;
	v19 =	vmul.f32 v19, v18;
	v35 =	vld.idx.msk [tilespmem:v49+s2+$0x0], $0xffff;
	[tilespmem:s24+$0xFFFFFF90] =	vst v55  }
0x5a: {  	v36 =	vmul.f32 v36, v12;
	[tilespmem:s24+$0x120] =	vst v30;
	v34 =	vld.idx.msk [tilespmem:v54+s2+$0x0], $0xffff  }
0x5b: {  	v33 =	vmul.f32 v33, v9;
	[tilespmem:s24+$0xA0] =	vst v19;
	v19 =	vld.idx.msk [tilespmem:v50+s2+$0x0], $0xffff  }
0x5c: {  	v30 =	vor.u32 v4, v24;
	[tilespmem:s24+$0xFFFFFF10] =	vst v36;
	v22 =	vld.idx.msk [tilespmem:v22+s2+$0x0], $0xffff  }
0x5d: {  	v56 =	vor.u32 v4, v28;
	v15 =	vmul.f32 v15, v16;
	[tilespmem:s25+$0xFFFFFE10] =	vst v33;
	v57 =	vld.idx.msk [tilespmem:v52+s2+$0x0], $0xffff  }
0x5e: {  	v58 =	vor.u32 v4, v26;
	v17 =	vmul.f32 v31, v17;
	v59 =	vld.idx.msk [tilespmem:v53+s2+$0x0], $0xffff  }
0x5f: {  	v41 =	vor.u32 v4, v21;
	[tilespmem:s24+$0x1A0] =	vst v15;
	v15 =	vld.msk [tilespmem:s28+$0xFFFFFFFF ss:$0x0], $0xffff;
	v32 =	vmul.f32 v32, v23  }
0x60: {  	v60 =	vor.u32 v5, v29;
	[tilespmem:s24+$0xFFFFFE70] =	vst v17;
	v17 =	vld [tilespmem:s26+$0x2];
	v35 =	vmul.f32 v35, v13  }
0x61: {  	v61 =	vor.u32 v5, v27;
	[tilespmem:s24+$0x20] =	vst v32;
	v30 =	vld.idx.msk [tilespmem:v30+s2+$0x0], $0xffff;
	v34 =	vmul.f32 v34, v11  }
0x62: {  	v62 =	vld.idx.msk [tilespmem:v56+s2+$0x0], $0xffff;
	v19 =	vmul.f32 v19, v20;
	[tilespmem:s24+$0xFFFFFEA0] =	vst v35  }
0x63: {  	v45 =	vor.u32 v4, v25;
	v22 =	vmul.f32 v22, v18;
	v36 =	vld.idx.msk [tilespmem:v58+s2+$0x0], $0xffff;
	[tilespmem:s24+$0xFFFFFFA0] =	vst v34  }
0x64: {  	v63 =	vor.u32 v4, v10;
	v33 =	vmul.f32 v57, v12;
	[tilespmem:s24+$0x130] =	vst v19;
	v50 =	vld.idx.msk [tilespmem:v41+s2+$0x0], $0xffff  }
0x65: {  	v47 =	vor.u32 v5, v24;
	v19 =	vmul.f32 v59, v9;
	[tilespmem:s24+$0xB0] =	vst v22;
	v22 =	vld.idx.msk [tilespmem:v60+s2+$0x0], $0xffff  }
0x66: {  	v46 =	vor.u32 v5, v28;
	[tilespmem:s24+$0xFFFFFF20] =	vst v33;
	v32 =	vld.idx.msk [tilespmem:v61+s2+$0x0], $0xffff  }
0x67: {  	v42 =	vor.u32 v5, v26;
	[tilespmem:s25+$0xFFFFFE20] =	vst v19;
	v19 =	vld.msk [tilespmem:s28+$0xFFFFFFFD ss:$0x0], $0xffff;
	v30 =	vmul.f32 v30, v16  }
0x68: {  	v35 =	vld.idx.msk [tilespmem:v45+s2+$0x0], $0xffff;
	v48 =	vmul.f32 v62, v23  }
0x69: {  	v55 =	vor.u32 v5, v21;
	v40 =	vld.idx.msk [tilespmem:v63+s2+$0x0], $0xffff;
	v36 =	vmul.f32 v36, v13;
	[tilespmem:s24+$0x1B0] =	vst v30  }
0x6a: {  	v49 =	vor.u32 v6, v29;
	[tilespmem:s24+$0x30] =	vst v48;
	v52 =	vld.idx.msk [tilespmem:v47+s2+$0x0], $0xffff;
	v39 =	vmul.f32 v50, v11  }
0x6b: {  	v37 =	vld.idx.msk [tilespmem:v46+s2+$0x0], $0xffff;
	v22 =	vmul.f32 v22, v20;
	[tilespmem:s24+$0xFFFFFEB0] =	vst v36  }
0x6c: {  	v51 =	vor.u32 v6, v27;
	v54 =	vld.idx.msk [tilespmem:v42+s2+$0x0], $0xffff;
	[tilespmem:s24+$0xFFFFFFB0] =	vst v39  }
0x6d: {  	v53 =	vor.u32 v5, v25;
	[tilespmem:s24+$0x140] =	vst v22;
	v22 =	vld.msk [tilespmem:s28+$0x0 ss:$0x0], $0xffff  }
0x6e: {  	v30 =	vmul.f32 v32, v18;
	v39 =	vld.idx.msk [tilespmem:v55+s2+$0x0], $0xffff  }
0x6f: {  	v35 =	vmul.f32 v35, v12;
	v34 =	vld.idx.msk [tilespmem:v49+s2+$0x0], $0xffff  }
0x70: {  	v56 =	vor.u32 v6, v28;
	[tilespmem:s24+$0xC0] =	vst v30;
	v30 =	vld [tilespmem:s26+$0xFFFFFFFE]  }
0x71: {  	v43 =	vor.u32 v6, v24;
	[tilespmem:s24+$0xFFFFFF30] =	vst v35;
	v33 =	vld.idx.msk [tilespmem:v51+s2+$0x0], $0xffff;
	v32 =	vmul.f32 v52, v16  }
0x72: {  	v44 =	vor.u32 v6, v26;
	v36 =	vld.idx.msk [tilespmem:v53+s2+$0x0], $0xffff;
	v57 =	vmul.f32 v37, v23  }
0x73: {  	v51 =	vld [tilespmem:s26+$0x1];
	[tilespmem:s24+$0x1C0] =	vst v32  }
0x74: {  	v58 =	vor.u32 v7, v29;
	v38 =	vmul.f32 v54, v13;
	v32 =	vld [tilespmem:s26+$0xFFFFFFFF];
	[tilespmem:s24+$0x40] =	vst v57  }
0x75: {  	v59 =	vor.u32 v7, v27;
	v60 =	vld.idx.msk [tilespmem:v56+s2+$0x0], $0xffff  }
0x76: {  	v63 =	vor.u32 v6, v25;
	v62 =	vld.idx.msk [tilespmem:v43+s2+$0x0], $0xffff;
	v34 =	vmul.f32 v34, v20;
	[tilespmem:s24+$0xFFFFFEC0] =	vst v38  }
0x77: {  	v48 =	vor.u32 v6, v21;
	v61 =	vmul.f32 v33, v18;
	v38 =	vld.idx.msk [tilespmem:v44+s2+$0x0], $0xffff  }
0x78: {  	v49 =	vor.u32 v7, v28;
	v57 =	vld [tilespmem:s26+$0x3];
	v36 =	vmul.f32 v36, v12;
	[tilespmem:s24+$0x150] =	vst v34  }
0x79: {  	v50 =	vor.u32 v7, v24;
	v39 =	vmul.f32 v39, v11;
	[tilespmem:s24+$0xD0] =	vst v61;
	v37 =	vld.idx.msk [tilespmem:v58+s2+$0x0], $0xffff  }
0x7a: {  	v45 =	vor.u32 v7, v26;
	[tilespmem:s24+$0xFFFFFF40] =	vst v36;
	v35 =	vld.idx.msk [tilespmem:v59+s2+$0x0], $0xffff;
	v41 =	vmul.f32 v60, v23  }
0x7b: {  	[tilespmem:s24+$0xFFFFFFC0] =	vst v39;
	v52 =	vld.idx.msk [tilespmem:v63+s2+$0x0], $0xffff;
	v33 =	vmul.f32 v62, v16  }
0x7c: {  	v29 =	vor.u32 v8, v29;
	v34 =	vld.idx.msk [tilespmem:v48+s2+$0x0], $0xffff;
	v38 =	vmul.f32 v38, v13;
	[tilespmem:s24+$0x50] =	vst v41  }
0x7d: {  	v27 =	vor.u32 v8, v27;
	[tilespmem:s24+$0x1D0] =	vst v33;
	v41 =	vld.idx.msk [tilespmem:v49+s2+$0x0], $0xffff  }
0x7e: {  	v55 =	vor.u32 v7, v25;
	v54 =	vld.idx.msk [tilespmem:v50+s2+$0x0], $0xffff;
	v37 =	vmul.f32 v37, v20;
	[tilespmem:s24+$0xFFFFFED0] =	vst v38  }
0x7f: {  	v31 =	vor.u32 v7, v21;
	v53 =	vmul.f32 v35, v18;
	v38 =	vld.idx.msk [tilespmem:v45+s2+$0x0], $0xffff  }
0x80: {  	v28 =	vor.u32 v8, v28;
	v56 =	vmul.f32 v52, v12;
	v35 =	vor.u32 v8, v25;
	v25 =	vld [tilespmem:s26+$0x0];
	[tilespmem:s24+$0x160] =	vst v37  }
0x81: {  	v24 =	vor.u32 v8, v24;
	v34 =	vmul.f32 v34, v11;
	[tilespmem:s24+$0xE0] =	vst v53;
	v29 =	vld.idx.msk [tilespmem:v29+s2+$0x0], $0xffff  }
0x82: {  	[tilespmem:s24+$0xFFFFFF50] =	vst v56;
	v27 =	vld.idx.msk [tilespmem:v27+s2+$0x0], $0xffff;
	v58 =	vmul.f32 v41, v23  }
0x83: {  	v26 =	vor.u32 v8, v26;
	[tilespmem:s24+$0xFFFFFFD0] =	vst v34;
	v59 =	vld.idx.msk [tilespmem:v55+s2+$0x0], $0xffff;
	v60 =	vmul.f32 v54, v16  }
0x84: {  	v63 =	vor.u32 v5, v10;
	v62 =	vld.idx.msk [tilespmem:v31+s2+$0x0], $0xffff;
	v31 =	vmul.f32 v40, v9;
	[tilespmem:s24+$0x60] =	vst v58  }
0x85: {  	v17 =	vshll.u32 v17, v1;
	v61 =	vmul.f32 v38, v13;
	[tilespmem:s24+$0x1E0] =	vst v60;
	v28 =	vld.idx.msk [tilespmem:v28+s2+$0x0], $0xffff  }
0x86: {  	v33 =	vor.u32 v8, v21;
	v21 =	vbroadcast v17, $0x0;
	[tilespmem:s25+$0xFFFFFE30] =	vst v31;
	v38 =	vld.idx.msk [tilespmem:v24+s2+$0x0], $0xffff;
	v20 =	vmul.f32 v29, v20  }
0x87: {  	v31 =	vor.u32 v6, v10;
	v24 =	vld [tilespmem:s26+$0xFFFFFFFD];
	[tilespmem:s24+$0xFFFFFEE0] =	vst v61;
	v27 =	vmul.f32 v27, v18;
	v18 =	vshll.u32 v57, v1  }
0x88: {  	v37 =	vld.idx.msk [tilespmem:v26+s2+$0x0], $0xffff;
	v39 =	vmul.f32 v59, v12;
	v18 =	vbroadcast v18, $0x0;
	[tilespmem:s24+$0x170] =	vst v20;
	v20 =	vshll.u32 v51, v1  }
0x89: {  	v36 =	vld.idx.msk [tilespmem:v63+s2+$0x0], $0xffff;
	v40 =	vmul.f32 v62, v11;
	v29 =	vor.u32 v4, v21;
	[tilespmem:s24+$0xF0] =	vst v27;
	v20 =	vbroadcast v20, $0x0  }
0x8a: {  	s29 =	simm.s32 $0x8;
	s23 =	sshll.u32 s22, $0x9;
	v17 =	vld.msk [tilespmem:s28+$0x1 ss:$0x0], $0xffff;
	v26 =	vor.u32 v0, v21;
	[tilespmem:s24+$0xFFFFFF60] =	vst v39;
	v34 =	vor.u32 v2, v18;
	v39 =	vmul.f32 v28, v23  }
.LBB2_3:
0x8b: {  	s29 =	sadd.s32 $0x8, s29;
	v32 =	vshll.u32 v32, v1;
	v41 =	vor.u32 v0, v20;
	v35 =	vld.idx.msk [tilespmem:v35+s2+$0x0], $0xffff;
	[tilespmem:s24+$0xFFFFFFE0] =	vst v40;
	v23 =	vmov v22  }
0x8c: {  	v28 =	vshll.u32 v30, v1;
	v16 =	vmul.f32 v38, v16;
	p1 =	slt.u32 s29, $0xF8;
	v22 =	vshll.u32 v24, v1;
	v30 =	vld.idx.msk [tilespmem:v33+s2+$0x0], $0xffff  }
0x8d: {  	s26 =	sadd.s32 $0x8, s26;
	v33 =	vmul.f32 v37, v13;
	v13 =	vmovc v19;
	v27 =	vbroadcast v22, $0x0;
	v22 =	vshll.u32 v25, v1;
	v24 =	vld.msk [tilespmem:s28+$0x2 ss:$0x0], $0xffff;
	[tilespmem:s24+$0x70] =	vst v39  }
0x8e: {  	v25 =	vbroadcast v28, $0x0;
	v19 =	vld [tilespmem:s26+$0xFFFFFFFC];
	v28 =	vbroadcast v22, $0x0;
	v22 =	vor.u32 v0, v18;
	[tilespmem:s24+$0x1F0] =	vst v16  }
0x8f: {  	v16 =	vmul.f32 v36, v9;
	v36 =	vor.u32 v0, v27;
	v37 =	vor.u32 v3, v27;
	v38 =	vld.idx.msk [tilespmem:v26+s2+$0x0], $0xffff  }
0x90: {  	v39 =	vor.u32 v0, v25;
	v26 =	vbroadcast v32, $0x0;
	v32 =	vor.u32 v0, v28;
	v40 =	vld.idx.msk [tilespmem:v41+s2+$0x0], $0xffff;
	[tilespmem:s24+$0xFFFFFEF0] =	vst v33  }
0x91: {  	v33 =	vmul.f32 v35, v12;
	v12 =	vmov v14;
	[tilespmem:s25+$0xFFFFFE40] =	vst v16;
	v16 =	vld.msk [tilespmem:s28+$0x3 ss:$0x0], $0xffff  }
0x92: {  	v30 =	vmul.f32 v30, v11;
	v11 =	vmov v15;
	v14 =	vld.idx.msk [tilespmem:v31+s2+$0x0], $0xffff;
	v31 =	vor.u32 v0, v26  }
0x93: {  	s28 =	sadd.s32 $0x8, s28;
	v15 =	vshll.u32 v19, v1;
	v19 =	vor.u32 v2, v21;
	v22 =	vld.idx.msk [tilespmem:v22+s2+$0x0], $0xffff;
	[tilespmem:s24+$0xFFFFFF70] =	vst v33  }
0x94: {  	v35 =	vor.u32 v2, v20;
	v33 =	vld.msk [tilespmem:s28+$0xFFFFFFFC ss:$0x0], $0xffff;
	v15 =	vbroadcast v15, $0x0;
	[tilespmem:s24+$0xFFFFFFF0] =	vst v30;
	s24 =	smov.u32 s25  }
0x95: {  	v30 =	vld.idx.msk [tilespmem:v32+s2+$0x0], $0xffff;
	v32 =	vmul.f32 v24, v38  }
0x96: {  	v40 =	vmul.f32 v17, v40;
	v38 =	vor.u32 v0, v15;
	v36 =	vld.idx.msk [tilespmem:v36+s2+$0x0], $0xffff  }
0x97: {  	v42 =	vor.u32 v2, v25;
	v41 =	vor.u32 v7, v10;
	v31 =	vld.idx.msk [tilespmem:v31+s2+$0x0], $0xffff;
	[tilespmem:s25+$0x100] =	vst v32  }
0x98: {  	v43 =	vor.u32 v2, v28;
	v32 =	vor.u32 v2, v27;
	[tilespmem:s25+$0x80] =	vst v40;
	v19 =	vld.idx.msk [tilespmem:v19+s2+$0x0], $0xffff  }
0x99: {  	v14 =	vmul.f32 v14, v9;
	v22 =	vmul.f32 v16, v22;
	v35 =	vld.idx.msk [tilespmem:v35+s2+$0x0], $0xffff  }
0x9a: {  	v39 =	vld.idx.msk [tilespmem:v39+s2+$0x0], $0xffff  }
0x9b: {  	v40 =	vor.u32 v2, v26;
	v30 =	vmul.f32 v23, v30;
	v38 =	vld.idx.msk [tilespmem:v38+s2+$0x0], $0xffff;
	[tilespmem:s25+$0x180] =	vst v22  }
0x9c: {  	v22 =	vor.u32 v3, v21;
	[tilespmem:s25+$0xFFFFFE50] =	vst v14;
	v14 =	vmul.f32 v13, v36;
	v34 =	vld.idx.msk [tilespmem:v34+s2+$0x0], $0xffff  }
0x9d: {  	v31 =	vmul.f32 v11, v31;
	v36 =	vld.idx.msk [tilespmem:v41+s2+$0x0], $0xffff;
	[tilespmem:s25+$0x0] =	vst v30;
	v30 =	vor.u32 v3, v20  }
0x9e: {  	v41 =	vor.u32 v2, v15;
	v19 =	vmul.f32 v19, v24;
	[tilespmem:s25+$0xFFFFFE80] =	vst v14;
	v14 =	vld.idx.msk [tilespmem:v43+s2+$0x0], $0xffff  }
0x9f: {  	v32 =	vld.idx.msk [tilespmem:v32+s2+$0x0], $0xffff;
	[tilespmem:s25+$0xFFFFFF80] =	vst v31;
	v31 =	vmul.f32 v35, v17;
	v35 =	vor.u32 v3, v18  }
0xa0: {  	v43 =	vor.u32 v8, v10;
	v10 =	vmov v15;
	v39 =	vmul.f32 v12, v39;
	v40 =	vld.idx.msk [tilespmem:v40+s2+$0x0], $0xffff;
	[tilespmem:s25+$0x110] =	vst v19  }
0xa1: {  	v15 =	vmul.f32 v33, v38;
	v19 =	vor.u32 v3, v25;
	[tilespmem:s25+$0x90] =	vst v31;
	v22 =	vld.idx.msk [tilespmem:v22+s2+$0x0], $0xffff  }
0xa2: {  	v31 =	vor.u32 v3, v28;
	v34 =	vmul.f32 v34, v16;
	s25 =	sadd.s32 $0x400, s25;
	[tilespmem:s24+$0xFFFFFF00] =	vst v39;
	v30 =	vld.idx.msk [tilespmem:v30+s2+$0x0], $0xffff  }
0xa3: {  	[tilespmem:s25+$0xFFFFFE00] =	vst v15;
	v15 =	vmul.f32 v36, v9;
	v36 =	vld.idx.msk [tilespmem:v42+s2+$0x0], $0xffff  }
0xa4: {  	v14 =	vmul.f32 v14, v23;
	v38 =	vld.idx.msk [tilespmem:v41+s2+$0x0], $0xffff;
	[tilespmem:s24+$0x190] =	vst v34  }
0xa5: {  	[tilespmem:s24+$0xFFFFFE60] =	vst v15;
	v15 =	vld.idx.msk [tilespmem:v35+s2+$0x0], $0xffff  }
0xa6: {  	v32 =	vmul.f32 v32, v13;
	v35 =	vor.u32 v4, v20;
	v34 =	vld.idx.msk [tilespmem:v43+s2+$0x0], $0xffff;
	[tilespmem:s24+$0x10] =	vst v14  }
0xa7: {  	v39 =	vmul.f32 v40, v11;
	v40 =	vor.u32 v4, v28;
	v22 =	vmul.f32 v22, v24;
	v31 =	vld.idx.msk [tilespmem:v31+s2+$0x0], $0xffff  }
0xa8: {  	v41 =	vor.u32 v3, v10;
	v30 =	vmul.f32 v30, v17;
	v14 =	vld.msk [tilespmem:s28+$0xFFFFFFFE ss:$0x0], $0xffff;
	[tilespmem:s24+$0xFFFFFE90] =	vst v32;
	v32 =	vor.u32 v4, v18  }
0xa9: {  	v42 =	vor.u32 v3, v26;
	v36 =	vmul.f32 v36, v12;
	v37 =	vld.idx.msk [tilespmem:v37+s2+$0x0], $0xffff;
	[tilespmem:s24+$0x120] =	vst v22  }
0xaa: {  	v22 =	vmul.f32 v38, v33;
	v38 =	vor.u32 v4, v25;
	[tilespmem:s24+$0xA0] =	vst v30;
	v29 =	vld.idx.msk [tilespmem:v29+s2+$0x0], $0xffff  }
0xab: {  	v30 =	vor.u32 v4, v27;
	v15 =	vmul.f32 v15, v16;
	[tilespmem:s24+$0xFFFFFF10] =	vst v36;
	v35 =	vld.idx.msk [tilespmem:v35+s2+$0x0], $0xffff  }
0xac: {  	[tilespmem:s25+$0xFFFFFE10] =	vst v22;
	v22 =	vmul.f32 v34, v9;
	v19 =	vld.idx.msk [tilespmem:v19+s2+$0x0], $0xffff;
	v9 =	vmov v33  }
0xad: {  	v31 =	vmul.f32 v31, v23;
	v33 =	vld.idx.msk [tilespmem:v41+s2+$0x0], $0xffff;
	[tilespmem:s24+$0xFFFFFF90] =	vst v39  }
0xae: {  	v36 =	vor.u32 v5, v21;
	v34 =	vld.idx.msk [tilespmem:v42+s2+$0x0], $0xffff;
	[tilespmem:s24+$0x1A0] =	vst v15  }
0xaf: {  	v37 =	vmul.f32 v37, v13;
	[tilespmem:s24+$0x20] =	vst v31;
	v31 =	vor.u32 v5, v20;
	v32 =	vld.idx.msk [tilespmem:v32+s2+$0x0], $0xffff  }
0xb0: {  	v29 =	vmul.f32 v29, v24;
	[tilespmem:s24+$0xFFFFFE70] =	vst v22;
	v22 =	vld.idx.msk [tilespmem:v40+s2+$0x0], $0xffff  }
0xb1: {  	v39 =	vor.u32 v4, v10;
	v35 =	vmul.f32 v35, v17;
	v15 =	vld.msk [tilespmem:s28+$0xFFFFFFFF ss:$0x0], $0xffff;
	[tilespmem:s24+$0xFFFFFEA0] =	vst v37  }
0xb2: {  	v40 =	vor.u32 v4, v26;
	v37 =	vor.u32 v5, v25;
	v30 =	vld.idx.msk [tilespmem:v30+s2+$0x0], $0xffff;
	[tilespmem:s24+$0x130] =	vst v29  }
0xb3: {  	v29 =	vmul.f32 v33, v9;
	v33 =	vor.u32 v5, v27;
	[tilespmem:s24+$0xB0] =	vst v35;
	v35 =	vld.idx.msk [tilespmem:v36+s2+$0x0], $0xffff  }
0xb4: {  	v41 =	vor.u32 v5, v28;
	v36 =	vmul.f32 v19, v12;
	v34 =	vmul.f32 v34, v11;
	v31 =	vld.idx.msk [tilespmem:v31+s2+$0x0], $0xffff  }
0xb5: {  	[tilespmem:s25+$0xFFFFFE20] =	vst v29;
	v19 =	vld.msk [tilespmem:s28+$0xFFFFFFFD ss:$0x0], $0xffff;
	v29 =	vmul.f32 v32, v16;
	v32 =	vor.u32 v5, v18  }
0xb6: {  	v22 =	vmul.f32 v22, v23;
	v39 =	vld.idx.msk [tilespmem:v39+s2+$0x0], $0xffff;
	[tilespmem:s24+$0xFFFFFF20] =	vst v36  }
0xb7: {  	v36 =	vld.idx.msk [tilespmem:v38+s2+$0x0], $0xffff;
	[tilespmem:s24+$0xFFFFFFA0] =	vst v34;
	v34 =	vor.u32 v6, v21  }
0xb8: {  	v30 =	vmul.f32 v30, v13;
	v38 =	vld.idx.msk [tilespmem:v40+s2+$0x0], $0xffff;
	[tilespmem:s24+$0x30] =	vst v22;
	v22 =	vor.u32 v6, v20  }
0xb9: {  	v35 =	vmul.f32 v35, v24;
	v40 =	vld.idx.msk [tilespmem:v41+s2+$0x0], $0xffff;
	[tilespmem:s24+$0x1B0] =	vst v29  }
0xba: {  	v29 =	vmul.f32 v31, v17;
	[tilespmem:s24+$0xFFFFFEB0] =	vst v30;
	v31 =	vld.idx.msk [tilespmem:v32+s2+$0x0], $0xffff  }
0xbb: {  	v32 =	vld.idx.msk [tilespmem:v33+s2+$0x0], $0xffff;
	v33 =	vor.u32 v5, v26;
	[tilespmem:s24+$0x140] =	vst v35  }
0xbc: {  	v30 =	vmul.f32 v39, v9;
	v35 =	vor.u32 v6, v28;
	[tilespmem:s24+$0xC0] =	vst v29;
	v29 =	vld.idx.msk [tilespmem:v34+s2+$0x0], $0xffff  }
0xbd: {  	v34 =	vmul.f32 v36, v12;
	v36 =	vld.idx.msk [tilespmem:v22+s2+$0x0], $0xffff  }
0xbe: {  	v41 =	vor.u32 v6, v18;
	v39 =	vor.u32 v6, v27;
	v38 =	vmul.f32 v38, v11;
	[tilespmem:s25+$0xFFFFFE30] =	vst v30;
	v22 =	vld.msk [tilespmem:s28+$0x0 ss:$0x0], $0xffff  }
0xbf: {  	v30 =	vld [tilespmem:s26+$0xFFFFFFFE];
	[tilespmem:s24+$0xFFFFFF30] =	vst v34;
	v34 =	vmul.f32 v40, v23  }
0xc0: {  	v31 =	vmul.f32 v31, v16;
	v37 =	vld.idx.msk [tilespmem:v37+s2+$0x0], $0xffff;
	[tilespmem:s24+$0xFFFFFFB0] =	vst v38;
	v38 =	vor.u32 v7, v21  }
0xc1: {  	v32 =	vmul.f32 v32, v13;
	v33 =	vld.idx.msk [tilespmem:v33+s2+$0x0], $0xffff;
	[tilespmem:s24+$0x40] =	vst v34;
	v34 =	vor.u32 v7, v20  }
0xc2: {  	v29 =	vmul.f32 v29, v24;
	v35 =	vld.idx.msk [tilespmem:v35+s2+$0x0], $0xffff;
	[tilespmem:s24+$0x1C0] =	vst v31  }
0xc3: {  	v31 =	vmul.f32 v36, v17;
	[tilespmem:s24+$0xFFFFFEC0] =	vst v32;
	v36 =	vld.idx.msk [tilespmem:v41+s2+$0x0], $0xffff  }
0xc4: {  	v40 =	vor.u32 v6, v25;
	v41 =	vor.u32 v6, v26;
	v39 =	vld.idx.msk [tilespmem:v39+s2+$0x0], $0xffff;
	[tilespmem:s24+$0x150] =	vst v29  }
0xc5: {  	v29 =	vor.u32 v7, v28;
	[tilespmem:s24+$0xD0] =	vst v31;
	v31 =	vld.idx.msk [tilespmem:v38+s2+$0x0], $0xffff  }
0xc6: {  	v37 =	vmul.f32 v37, v12;
	v34 =	vld.idx.msk [tilespmem:v34+s2+$0x0], $0xffff  }
0xc7: {  	v42 =	vor.u32 v7, v18;
	v38 =	vor.u32 v7, v27;
	v33 =	vmul.f32 v33, v11;
	v32 =	vld [tilespmem:s26+$0xFFFFFFFF]  }
0xc8: {  	v35 =	vmul.f32 v35, v23;
	v43 =	vld [tilespmem:s26+$0x1];
	[tilespmem:s24+$0xFFFFFF40] =	vst v37  }
0xc9: {  	v21 =	vor.u32 v8, v21;
	v37 =	vld.idx.msk [tilespmem:v40+s2+$0x0], $0xffff;
	[tilespmem:s24+$0xFFFFFFC0] =	vst v33;
	v33 =	vmul.f32 v36, v16  }
0xca: {  	v20 =	vor.u32 v8, v20;
	v36 =	vmul.f32 v39, v13;
	v39 =	vld.idx.msk [tilespmem:v41+s2+$0x0], $0xffff;
	[tilespmem:s24+$0x50] =	vst v35  }
0xcb: {  	v31 =	vmul.f32 v31, v24;
	v29 =	vld.idx.msk [tilespmem:v29+s2+$0x0], $0xffff;
	[tilespmem:s24+$0x1D0] =	vst v33  }
0xcc: {  	v33 =	vmul.f32 v34, v17;
	[tilespmem:s24+$0xFFFFFED0] =	vst v36;
	v34 =	vld.idx.msk [tilespmem:v42+s2+$0x0], $0xffff  }
0xcd: {  	v36 =	vor.u32 v7, v25;
	v35 =	vld.idx.msk [tilespmem:v38+s2+$0x0], $0xffff;
	v38 =	vor.u32 v7, v26;
	[tilespmem:s24+$0x160] =	vst v31  }
0xce: {  	v28 =	vor.u32 v8, v28;
	[tilespmem:s24+$0xE0] =	vst v33;
	v21 =	vld.idx.msk [tilespmem:v21+s2+$0x0], $0xffff  }
0xcf: {  	v31 =	vmul.f32 v37, v12;
	v20 =	vld.idx.msk [tilespmem:v20+s2+$0x0], $0xffff  }
0xd0: {  	v18 =	vor.u32 v8, v18;
	v27 =	vor.u32 v8, v27;
	v33 =	vmul.f32 v39, v11;
	v40 =	vld [tilespmem:s26+$0x2]  }
0xd1: {  	v29 =	vmul.f32 v29, v23;
	v37 =	vld [tilespmem:s26+$0x3];
	[tilespmem:s24+$0xFFFFFF50] =	vst v31  }
0xd2: {  	v31 =	vmul.f32 v34, v16;
	v36 =	vld.idx.msk [tilespmem:v36+s2+$0x0], $0xffff;
	[tilespmem:s24+$0xFFFFFFD0] =	vst v33  }
0xd3: {  	v33 =	vmul.f32 v35, v13;
	v39 =	vld.idx.msk [tilespmem:v38+s2+$0x0], $0xffff;
	[tilespmem:s24+$0x60] =	vst v29  }
0xd4: {  	v29 =	vor.u32 v5, v10;
	v21 =	vmul.f32 v21, v24;
	v28 =	vld.idx.msk [tilespmem:v28+s2+$0x0], $0xffff;
	[tilespmem:s24+$0x1E0] =	vst v31  }
0xd5: {  	v35 =	vor.u32 v8, v25;
	v17 =	vmul.f32 v20, v17;
	[tilespmem:s24+$0xFFFFFEE0] =	vst v33;
	v38 =	vld.idx.msk [tilespmem:v18+s2+$0x0], $0xffff  }
.Ltmp0:
0xd6: {  	v33 =	vor.u32 v8, v26;
	v18 =	vshll.u32 v37, v1;
	v37 =	vld.idx.msk [tilespmem:v27+s2+$0x0], $0xffff;
	[tilespmem:s24+$0x170] =	vst v21;
	(pc) =	sbr.rel @p1 .LBB2_3-.Ltmp0, $4  }
0xd7: {  	v31 =	vor.u32 v6, v10;
	v20 =	vshll.u32 v40, v1;
	v24 =	vld [tilespmem:s26+$0xFFFFFFFD];
	v18 =	vbroadcast v18, $0x0;
	[tilespmem:s24+$0xF0] =	vst v17  }
0xd8: {  	v21 =	vbroadcast v20, $0x0;
	v17 =	vshll.u32 v43, v1;
	v27 =	vmul.f32 v36, v12;
	v25 =	vld [tilespmem:s26+$0x0]  }
0xd9: {  	v20 =	vbroadcast v17, $0x0;
	v40 =	vmul.f32 v39, v11;
	v36 =	vld.idx.msk [tilespmem:v29+s2+$0x0], $0xffff;
	v34 =	vor.u32 v2, v18  }
0xda: {  	v26 =	vor.u32 v0, v21;
	v29 =	vor.u32 v4, v21;
	v39 =	vmul.f32 v28, v23;
	v17 =	vld.msk [tilespmem:s28+$0x1 ss:$0x0], $0xffff;
	[tilespmem:s24+$0xFFFFFF60] =	vst v27  }
0xdb: {  	_ =	sdelay $0x1  }
0xdc: {  	v23 =	vshll.u32 v25, v1  }
0xdd: {  	v41 =	vor.u32 v0, v20;
	v28 =	vbroadcast v23, $0x0  }
0xde: {  	v23 =	vshll.u32 v24, v1  }
0xdf: {  	v25 =	vshll.u32 v30, v1;
	v27 =	vbroadcast v23, $0x0;
	v30 =	vor.u32 v0, v28  }
0xe0: {  	v63 =	vor.u32 v0, v18;
	v43 =	vld.idx.msk [tilespmem:v26+s2+$0x0], $0xffff;
	v25 =	vbroadcast v25, $0x0;
	v23 =	vshll.u32 v32, v1  }
0xe1: {  	v24 =	vld.msk [tilespmem:s28+$0x2 ss:$0x0], $0xffff;
	v26 =	vbroadcast v23, $0x0;
	v42 =	vor.u32 v0, v27  }
0xe2: {  	v44 =	vor.u32 v0, v25;
	v41 =	vld.idx.msk [tilespmem:v41+s2+$0x0], $0xffff  }
0xe3: {  	v23 =	vld.msk [tilespmem:s28+$0x3 ss:$0x0], $0xffff;
	v45 =	vor.u32 v0, v26  }
0xe4: {  	v30 =	vld.idx.msk [tilespmem:v30+s2+$0x0], $0xffff  }
0xe5: {  	v46 =	vor.u32 v2, v21;
	v32 =	vld.idx.msk [tilespmem:v63+s2+$0x0], $0xffff  }
0xe6: {  	[tilespmem:s24+$0xFFFFFFE0] =	vst v40;
	v16 =	vmul.f32 v38, v16;
	v48 =	vor.u32 v2, v20;
	v49 =	vld.idx.msk [tilespmem:v42+s2+$0x0], $0xffff  }
0xe7: {  	[tilespmem:s24+$0x70] =	vst v39;
	v51 =	vor.u32 v2, v28;
	v50 =	vmul.f32 v24, v43;
	v52 =	vld.idx.msk [tilespmem:v44+s2+$0x0], $0xffff  }
0xe8: {  	[tilespmem:s24+$0x1F0] =	vst v16;
	v16 =	vmul.f32 v17, v41;
	v53 =	vld.idx.msk [tilespmem:v45+s2+$0x0], $0xffff  }
0xe9: {  	v54 =	vor.u32 v2, v27;
	[tilespmem:s25+$0x100] =	vst v50;
	v30 =	vmul.f32 v22, v30  }
0xea: {  	v55 =	vor.u32 v2, v25;
	v32 =	vmul.f32 v23, v32;
	[tilespmem:s25+$0x80] =	vst v16;
	v16 =	vld.idx.msk [tilespmem:v46+s2+$0x0], $0xffff  }
0xeb: {  	v56 =	vor.u32 v2, v26;
	v38 =	vld.idx.msk [tilespmem:v48+s2+$0x0], $0xffff;
	v40 =	vmul.f32 v19, v49;
	[tilespmem:s25+$0x0] =	vst v30  }
0xec: {  	[tilespmem:s25+$0x180] =	vst v32;
	v57 =	vmul.f32 v14, v52;
	v30 =	vld.idx.msk [tilespmem:v51+s2+$0x0], $0xffff  }
0xed: {  	v58 =	vor.u32 v3, v21;
	v34 =	vld.idx.msk [tilespmem:v34+s2+$0x0], $0xffff;
	v41 =	vmul.f32 v15, v53;
	[tilespmem:s25+$0xFFFFFE80] =	vst v40  }
0xee: {  	v13 =	vmul.f32 v37, v13;
	v59 =	vor.u32 v3, v20;
	[tilespmem:s25+$0xFFFFFF00] =	vst v57;
	v39 =	vld.idx.msk [tilespmem:v54+s2+$0x0], $0xffff  }
0xef: {  	v60 =	vor.u32 v3, v28;
	v16 =	vmul.f32 v16, v24;
	v61 =	vld.idx.msk [tilespmem:v55+s2+$0x0], $0xffff;
	[tilespmem:s25+$0xFFFFFF80] =	vst v41  }
0xf0: {  	v62 =	vor.u32 v3, v18;
	[tilespmem:s24+$0xFFFFFEF0] =	vst v13;
	v13 =	vmul.f32 v38, v17;
	v41 =	vld.idx.msk [tilespmem:v56+s2+$0x0], $0xffff  }
0xf1: {  	v63 =	vor.u32 v3, v27;
	[tilespmem:s25+$0x110] =	vst v16;
	v16 =	vmul.f32 v30, v22  }
0xf2: {  	v34 =	vmul.f32 v34, v23;
	[tilespmem:s25+$0x90] =	vst v13;
	v13 =	vld.idx.msk [tilespmem:v58+s2+$0x0], $0xffff;
	v30 =	vor.u32 v3, v25  }
0xf3: {  	v37 =	vld.idx.msk [tilespmem:v59+s2+$0x0], $0xffff;
	v39 =	vmul.f32 v39, v19;
	[tilespmem:s25+$0x10] =	vst v16;
	v16 =	vor.u32 v3, v26  }
0xf4: {  	[tilespmem:s25+$0x190] =	vst v34;
	v44 =	vmul.f32 v61, v14;
	v32 =	vld.idx.msk [tilespmem:v60+s2+$0x0], $0xffff  }
0xf5: {  	v38 =	vld.idx.msk [tilespmem:v62+s2+$0x0], $0xffff;
	v45 =	vmul.f32 v41, v15;
	[tilespmem:s25+$0xFFFFFE90] =	vst v39  }
0xf6: {  	v36 =	vmul.f32 v36, v9;
	v46 =	vor.u32 v4, v20;
	[tilespmem:s25+$0xFFFFFF10] =	vst v44;
	v47 =	vld.idx.msk [tilespmem:v63+s2+$0x0], $0xffff  }
0xf7: {  	v48 =	vor.u32 v4, v28;
	v13 =	vmul.f32 v13, v24;
	[tilespmem:s25+$0xFFFFFF90] =	vst v45;
	v30 =	vld.idx.msk [tilespmem:v30+s2+$0x0], $0xffff  }
0xf8: {  	[tilespmem:s25+$0xFFFFFE40] =	vst v36;
	v50 =	vor.u32 v4, v18;
	v49 =	vmul.f32 v37, v17;
	v16 =	vld.idx.msk [tilespmem:v16+s2+$0x0], $0xffff  }
0xf9: {  	v35 =	vld.idx.msk [tilespmem:v35+s2+$0x0], $0xffff;
	[tilespmem:s25+$0x120] =	vst v13;
	v13 =	vor.u32 v4, v27;
	v32 =	vmul.f32 v32, v22  }
0xfa: {  	v51 =	vor.u32 v4, v25;
	v52 =	vmul.f32 v38, v23;
	[tilespmem:s25+$0xA0] =	vst v49;
	v29 =	vld.idx.msk [tilespmem:v29+s2+$0x0], $0xffff  }
0xfb: {  	v55 =	vor.u32 v4, v26;
	v53 =	vld.idx.msk [tilespmem:v46+s2+$0x0], $0xffff;
	v54 =	vmul.f32 v47, v19;
	[tilespmem:s25+$0x20] =	vst v32  }
0xfc: {  	[tilespmem:s25+$0x1A0] =	vst v52;
	v30 =	vmul.f32 v30, v14;
	v34 =	vld.idx.msk [tilespmem:v48+s2+$0x0], $0xffff  }
0xfd: {  	v56 =	vor.u32 v5, v21;
	v37 =	vld.idx.msk [tilespmem:v50+s2+$0x0], $0xffff;
	[tilespmem:s25+$0xFFFFFEA0] =	vst v54;
	v16 =	vmul.f32 v16, v15  }
0xfe: {  	v12 =	vmul.f32 v35, v12;
	v57 =	vor.u32 v5, v20;
	v13 =	vld.idx.msk [tilespmem:v13+s2+$0x0], $0xffff;
	[tilespmem:s25+$0xFFFFFF20] =	vst v30  }
0xff: {  	v29 =	vmul.f32 v29, v24;
	v30 =	vor.u32 v5, v28;
	v58 =	vld.idx.msk [tilespmem:v51+s2+$0x0], $0xffff;
	[tilespmem:s25+$0xFFFFFFA0] =	vst v16  }
0x100: {  	[tilespmem:s24+$0xFFFFFF70] =	vst v12;
	v12 =	vmul.f32 v53, v17;
	v16 =	vor.u32 v5, v18;
	v32 =	vld.idx.msk [tilespmem:v55+s2+$0x0], $0xffff  }
0x101: {  	v33 =	vld.idx.msk [tilespmem:v33+s2+$0x0], $0xffff;
	[tilespmem:s25+$0x130] =	vst v29;
	v29 =	vor.u32 v5, v27;
	v34 =	vmul.f32 v34, v22  }
0x102: {  	v59 =	vor.u32 v5, v25;
	v60 =	vmul.f32 v37, v23;
	[tilespmem:s25+$0xB0] =	vst v12;
	v12 =	vld.idx.msk [tilespmem:v56+s2+$0x0], $0xffff  }
0x103: {  	v61 =	vor.u32 v5, v26;
	v35 =	vld.idx.msk [tilespmem:v57+s2+$0x0], $0xffff;
	v13 =	vmul.f32 v13, v19;
	[tilespmem:s25+$0x30] =	vst v34  }
0x104: {  	[tilespmem:s25+$0x1B0] =	vst v60;
	v62 =	vmul.f32 v58, v14;
	v30 =	vld.idx.msk [tilespmem:v30+s2+$0x0], $0xffff  }
0x105: {  	v63 =	vor.u32 v6, v21;
	[tilespmem:s25+$0xFFFFFEB0] =	vst v13;
	v13 =	vld.idx.msk [tilespmem:v16+s2+$0x0], $0xffff;
	v16 =	vmul.f32 v32, v15  }
0x106: {  	v11 =	vmul.f32 v33, v11;
	v40 =	vor.u32 v6, v20;
	v29 =	vld.idx.msk [tilespmem:v29+s2+$0x0], $0xffff;
	[tilespmem:s25+$0xFFFFFF30] =	vst v62  }
0x107: {  	v41 =	vor.u32 v6, v28;
	v12 =	vmul.f32 v12, v24;
	v36 =	vld.idx.msk [tilespmem:v59+s2+$0x0], $0xffff;
	[tilespmem:s25+$0xFFFFFFB0] =	vst v16  }
0x108: {  	[tilespmem:s24+$0xFFFFFFF0] =	vst v11;
	v11 =	vmul.f32 v35, v17;
	v16 =	vor.u32 v6, v18;
	v34 =	vld.idx.msk [tilespmem:v61+s2+$0x0], $0xffff  }
0x109: {  	v31 =	vld.idx.msk [tilespmem:v31+s2+$0x0], $0xffff;
	[tilespmem:s25+$0x140] =	vst v12;
	v12 =	vor.u32 v6, v27;
	v30 =	vmul.f32 v30, v22  }
0x10a: {  	v42 =	vor.u32 v6, v25;
	[tilespmem:s25+$0xC0] =	vst v11;
	v11 =	vld.idx.msk [tilespmem:v63+s2+$0x0], $0xffff;
	v13 =	vmul.f32 v13, v23  }
0x10b: {  	v32 =	vld.idx.msk [tilespmem:v40+s2+$0x0], $0xffff;
	v29 =	vmul.f32 v29, v19;
	[tilespmem:s25+$0x40] =	vst v30;
	v30 =	vor.u32 v6, v26  }
0x10c: {  	v43 =	vor.u32 v7, v10;
	[tilespmem:s25+$0x1C0] =	vst v13;
	v13 =	vmul.f32 v36, v14;
	v33 =	vld.idx.msk [tilespmem:v41+s2+$0x0], $0xffff  }
0x10d: {  	v44 =	vor.u32 v7, v21;
	[tilespmem:s25+$0xFFFFFEC0] =	vst v29;
	v16 =	vld.idx.msk [tilespmem:v16+s2+$0x0], $0xffff;
	v29 =	vmul.f32 v34, v15  }
0x10e: {  	v31 =	vmul.f32 v31, v9;
	v45 =	vor.u32 v7, v20;
	v12 =	vld.idx.msk [tilespmem:v12+s2+$0x0], $0xffff;
	[tilespmem:s25+$0xFFFFFF40] =	vst v13  }
0x10f: {  	v11 =	vmul.f32 v11, v24;
	v13 =	vor.u32 v7, v28;
	v35 =	vld.idx.msk [tilespmem:v42+s2+$0x0], $0xffff;
	[tilespmem:s25+$0xFFFFFFC0] =	vst v29  }
0x110: {  	[tilespmem:s25+$0xFFFFFE50] =	vst v31;
	v31 =	vor.u32 v7, v18;
	v29 =	vmul.f32 v32, v17;
	v30 =	vld.idx.msk [tilespmem:v30+s2+$0x0], $0xffff  }
0x111: {  	v46 =	vld.idx.msk [tilespmem:v43+s2+$0x0], $0xffff;
	[tilespmem:s25+$0x150] =	vst v11;
	v11 =	vor.u32 v7, v27;
	v33 =	vmul.f32 v33, v22  }
0x112: {  	v47 =	vor.u32 v7, v25;
	[tilespmem:s25+$0xD0] =	vst v29;
	v29 =	vld.idx.msk [tilespmem:v44+s2+$0x0], $0xffff;
	v16 =	vmul.f32 v16, v23  }
0x113: {  	v48 =	vor.u32 v7, v26;
	v34 =	vld.idx.msk [tilespmem:v45+s2+$0x0], $0xffff;
	v12 =	vmul.f32 v12, v19;
	[tilespmem:s25+$0x50] =	vst v33  }
0x114: {  	v10 =	vor.u32 v8, v10;
	[tilespmem:s25+$0x1D0] =	vst v16;
	v16 =	vmul.f32 v35, v14;
	v13 =	vld.idx.msk [tilespmem:v13+s2+$0x0], $0xffff  }
0x115: {  	v21 =	vor.u32 v8, v21;
	[tilespmem:s25+$0xFFFFFED0] =	vst v12;
	v12 =	vld.idx.msk [tilespmem:v31+s2+$0x0], $0xffff;
	v30 =	vmul.f32 v30, v15  }
0x116: {  	v20 =	vor.u32 v8, v20;
	v31 =	vmul.f32 v46, v9;
	v11 =	vld.idx.msk [tilespmem:v11+s2+$0x0], $0xffff;
	[tilespmem:s25+$0xFFFFFF50] =	vst v16  }
0x117: {  	v28 =	vor.u32 v8, v28;
	v16 =	vmul.f32 v29, v24;
	v29 =	vld.idx.msk [tilespmem:v47+s2+$0x0], $0xffff;
	[tilespmem:s25+$0xFFFFFFD0] =	vst v30  }
0x118: {  	v18 =	vor.u32 v8, v18;
	[tilespmem:s25+$0xFFFFFE60] =	vst v31;
	v30 =	vmul.f32 v34, v17;
	v31 =	vld.idx.msk [tilespmem:v48+s2+$0x0], $0xffff  }
0x119: {  	v10 =	vld.idx.msk [tilespmem:v10+s2+$0x0], $0xffff;
	[tilespmem:s25+$0x160] =	vst v16;
	v16 =	vor.u32 v8, v27;
	v13 =	vmul.f32 v13, v22  }
0x11a: {  	v25 =	vor.u32 v8, v25;
	[tilespmem:s25+$0xE0] =	vst v30;
	v21 =	vld.idx.msk [tilespmem:v21+s2+$0x0], $0xffff;
	v12 =	vmul.f32 v12, v23  }
0x11b: {  	v20 =	vld.idx.msk [tilespmem:v20+s2+$0x0], $0xffff;
	v11 =	vmul.f32 v11, v19;
	[tilespmem:s25+$0x60] =	vst v13;
	v13 =	vor.u32 v8, v26  }
0x11c: {  	[tilespmem:s25+$0x1E0] =	vst v12;
	v12 =	vmul.f32 v29, v14;
	v26 =	vld.idx.msk [tilespmem:v28+s2+$0x0], $0xffff  }
0x11d: {  	[tilespmem:s25+$0xFFFFFEE0] =	vst v11;
	v11 =	vld.idx.msk [tilespmem:v18+s2+$0x0], $0xffff;
	v18 =	vmul.f32 v31, v15  }
0x11e: {  	v9 =	vmul.f32 v10, v9;
	v10 =	vld.idx.msk [tilespmem:v16+s2+$0x0], $0xffff;
	[tilespmem:s25+$0xFFFFFF60] =	vst v12  }
0x11f: {  	v12 =	vmul.f32 v21, v24;
	v16 =	vld.idx.msk [tilespmem:v25+s2+$0x0], $0xffff;
	[tilespmem:s25+$0xFFFFFFE0] =	vst v18  }
0x120: {  	[tilespmem:s25+$0xFFFFFE70] =	vst v9;
	v9 =	vmul.f32 v20, v17;
	v13 =	vld.idx.msk [tilespmem:v13+s2+$0x0], $0xffff  }
0x121: {  	[tilespmem:s25+$0x170] =	vst v12;
	v12 =	vmul.f32 v26, v22  }
0x122: {  	[tilespmem:s25+$0xF0] =	vst v9;
	v9 =	vmul.f32 v11, v23  }
0x123: {  	v10 =	vmul.f32 v10, v19;
	[tilespmem:s25+$0x70] =	vst v12  }
0x124: {  	[tilespmem:s25+$0x1F0] =	vst v9;
	v9 =	vmul.f32 v16, v14  }
0x125: {  	[tilespmem:s25+$0xFFFFFEF0] =	vst v10;
	v10 =	vmul.f32 v13, v15  }
0x126: {  	s31 =	sshll.u32 s22, $0xD;
	[tilespmem:s25+$0xFFFFFF70] =	vst v9  }
0x127: {  	s24 =	sadd.s32 s31, s6;
	[tilespmem:s25+$0xFFFFFFF0] =	vst v10  }
0x128: {  	[hbm4b:s24+s2] =	stream.linear.scatter [tilespmem:s13], [sflag:$0x1], $0x8000, $0x38;
	[tilespmem:$0x1C100] =	vst v63  }
0x129: {  	s24 =	simm.s32 @!p0 $0x2  }
0x12a: {  	_ =	swait.ge @!p0 [sflag:s24], $0x8000  }
0x12b: {  	[sflag:s24] =	ssyncset.done @!p0 $0x0  }
0x12c: {  	[sflag:s24] =	ssyncadd.s32 @!p0 $0xFFFF8000  }
0x12d: {  	v9 =	vld [tilespmem:s21+$0xFFFFFFF9];
	_ =	sdelay $0x4  }
0x12e: {  	v9 =	vshll.u32 v9, v1  }
0x12f: {  	v14 =	vbroadcast v9, $0x0;
	_ =	sdelay $0x1  }
0x130: {  	v9 =	vor.u32 v0, v14;
	_ =	sdelay $0x3  }
0x131: {  	v17 =	vld.msk [tilespmem:s20+$0xFFFFFFF9 ss:$0x0], $0xffff  }
0x132: {  	v9 =	vld.idx.msk [tilespmem:v9+s2+$0x0], $0xffff;
	_ =	sdelay $0x2  }
0x133: {  	v10 =	vor.u32 v2, v14;
	_ =	sdelay $0x1  }
0x134: {  	v9 =	vmul.f32 v17, v9  }
0x135: {  	s24 =	simm.s32 $0x14300  }
0x136: {  	[tilespmem:s24+$0xFFFFFE00] =	vst v9  }
0x137: {  	v9 =	vld.idx.msk [tilespmem:v10+s2+$0x0], $0xffff;
	_ =	sdelay $0x2  }
0x138: {  	v10 =	vor.u32 v3, v14;
	_ =	sdelay $0x1  }
0x139: {  	v9 =	vmul.f32 v9, v17;
	_ =	sdelay $0x1  }
0x13a: {  	[tilespmem:s24+$0xFFFFFE10] =	vst v9  }
0x13b: {  	v9 =	vld.idx.msk [tilespmem:v10+s2+$0x0], $0xffff;
	_ =	sdelay $0x2  }
0x13c: {  	v10 =	vor.u32 v4, v14;
	_ =	sdelay $0x1  }
0x13d: {  	v15 =	vld [tilespmem:s21+$0xFFFFFFFE];
	v9 =	vmul.f32 v9, v17  }
0x13e: {  	v12 =	vld.msk [tilespmem:s20+$0xFFFFFFFB ss:$0x0], $0xffff  }
0x13f: {  	v11 =	vld.msk [tilespmem:s20+$0xFFFFFFFC ss:$0x0], $0xffff;
	[tilespmem:s24+$0xFFFFFE20] =	vst v9  }
0x140: {  	v9 =	vld.idx.msk [tilespmem:v10+s2+$0x0], $0xffff  }
0x141: {  	v13 =	vld.msk [tilespmem:s20+$0xFFFFFFFA ss:$0x0], $0xffff  }
0x142: {  	v15 =	vshll.u32 v15, v1;
	v10 =	vld [tilespmem:s21+$0xFFFFFFFF]  }
0x143: {  	v18 =	vld [tilespmem:s21+$0x0];
	v27 =	vbroadcast v15, $0x0;
	v16 =	vor.u32 v5, v14  }
0x144: {  	v19 =	vld [tilespmem:s21+$0xFFFFFFFC]  }
0x145: {  	v20 =	vld [tilespmem:s21+$0xFFFFFFFD];
	v25 =	vor.u32 v0, v27;
	v9 =	vmul.f32 v9, v17  }
0x146: {  	v22 =	vld [tilespmem:s21+$0xFFFFFFFB]  }
0x147: {  	v10 =	vshll.u32 v10, v1;
	[tilespmem:s24+$0xFFFFFE30] =	vst v9;
	v9 =	vld [tilespmem:s21+$0xFFFFFFFA]  }
0x148: {  	s26 =	sadd.s32 $0x8, s21;
	v29 =	vbroadcast v10, $0x0;
	v10 =	vld.idx.msk [tilespmem:v16+s2+$0x0], $0xffff  }
0x149: {  	v31 =	vld [tilespmem:s26+$0xFFFFFFF9];
	v16 =	vshll.u32 v18, v1  }
0x14a: {  	v50 =	vld.idx.msk [tilespmem:v25+s2+$0x0], $0xffff;
	v15 =	vor.u32 v0, v29;
	v24 =	vbroadcast v16, $0x0  }
0x14b: {  	v30 =	vor.u32 v6, v14;
	v18 =	vld.msk [tilespmem:s20+$0xFFFFFFFE ss:$0x0], $0xffff;
	v16 =	vshll.u32 v20, v1  }
0x14c: {  	v23 =	vld.msk [tilespmem:s20+$0xFFFFFFFD ss:$0x0], $0xffff;
	v28 =	vbroadcast v16, $0x0;
	v49 =	vor.u32 v0, v24;
	v9 =	vshll.u32 v9, v1  }
0x14d: {  	v20 =	vld.msk [tilespmem:s20+$0xFFFFFFFF ss:$0x0], $0xffff;
	v16 =	vshll.u32 v19, v1;
	v26 =	vbroadcast v9, $0x0;
	v9 =	vmul.f32 v10, v17  }
0x14e: {  	v52 =	vor.u32 v2, v27;
	v21 =	vbroadcast v16, $0x0;
	v16 =	vld.msk [tilespmem:s20+$0x0 ss:$0x0], $0xffff  }
0x14f: {  	v19 =	vor.u32 v0, v28;
	v15 =	vld.idx.msk [tilespmem:v15+s2+$0x0], $0xffff;
	v10 =	vshll.u32 v31, v1;
	[tilespmem:s24+$0xFFFFFE40] =	vst v9  }
0x150: {  	v33 =	vmul.f32 v18, v50;
	v51 =	vor.u32 v0, v26;
	v9 =	vshll.u32 v22, v1;
	v22 =	vld.idx.msk [tilespmem:v30+s2+$0x0], $0xffff  }
0x151: {  	s28 =	sadd.s32 $0x8, s20;
	v10 =	vbroadcast v10, $0x0;
	v30 =	vor.u32 v0, v21;
	v32 =	vld.idx.msk [tilespmem:v49+s2+$0x0], $0xffff  }
0x152: {  	v31 =	vor.u32 v2, v29;
	[tilespmem:s24+$0x80] =	vst v33;
	v25 =	vbroadcast v9, $0x0;
	v9 =	vld.msk [tilespmem:s28+$0xFFFFFFF9 ss:$0x0], $0xffff  }
0x153: {  	v54 =	vor.u32 v0, v10;
	v35 =	vld.idx.msk [tilespmem:v52+s2+$0x0], $0xffff  }
0x154: {  	v19 =	vld.idx.msk [tilespmem:v19+s2+$0x0], $0xffff;
	v53 =	vor.u32 v0, v25;
	v15 =	vmul.f32 v20, v15  }
0x155: {  	v55 =	vor.u32 v2, v24;
	v34 =	vld.idx.msk [tilespmem:v51+s2+$0x0], $0xffff  }
0x156: {  	[tilespmem:s24+$0x100] =	vst v15;
	v15 =	vor.u32 v7, v14;
	v30 =	vld.idx.msk [tilespmem:v30+s2+$0x0], $0xffff  }
0x157: {  	v56 =	vor.u32 v2, v28;
	v31 =	vld.idx.msk [tilespmem:v31+s2+$0x0], $0xffff;
	v32 =	vmul.f32 v16, v32  }
0x158: {  	v57 =	vor.u32 v2, v26;
	v22 =	vmul.f32 v22, v17;
	v37 =	vld.idx.msk [tilespmem:v54+s2+$0x0], $0xffff  }
0x159: {  	v58 =	vor.u32 v2, v21;
	v19 =	vmul.f32 v23, v19;
	v36 =	vld.idx.msk [tilespmem:v53+s2+$0x0], $0xffff;
	[tilespmem:s24+$0x180] =	vst v32  }
0x15a: {  	v59 =	vor.u32 v3, v29;
	[tilespmem:s24+$0xFFFFFE50] =	vst v22;
	v60 =	vld.idx.msk [tilespmem:v55+s2+$0x0], $0xffff;
	v22 =	vmul.f32 v13, v34  }
0x15b: {  	[tilespmem:s24+$0x0] =	vst v19;
	v19 =	vor.u32 v3, v27;
	v15 =	vld.idx.msk [tilespmem:v15+s2+$0x0], $0xffff;
	v30 =	vmul.f32 v11, v30  }
0x15c: {  	v61 =	vor.u32 v2, v25;
	v31 =	vmul.f32 v31, v20;
	[tilespmem:s24+$0xFFFFFE80] =	vst v22;
	v22 =	vld.idx.msk [tilespmem:v56+s2+$0x0], $0xffff  }
0x15d: {  	v62 =	vor.u32 v2, v10;
	v39 =	vld.idx.msk [tilespmem:v57+s2+$0x0], $0xffff;
	[tilespmem:s24+$0xFFFFFF80] =	vst v30;
	v30 =	vmul.f32 v35, v18  }
0x15e: {  	v63 =	vor.u32 v3, v24;
	v36 =	vmul.f32 v12, v36;
	[tilespmem:s24+$0x110] =	vst v31;
	v40 =	vld.idx.msk [tilespmem:v58+s2+$0x0], $0xffff  }
0x15f: {  	v14 =	vor.u32 v8, v14;
	v31 =	vmul.f32 v9, v37;
	[tilespmem:s24+$0x90] =	vst v30;
	v30 =	vld.idx.msk [tilespmem:v59+s2+$0x0], $0xffff  }
0x160: {  	s25 =	simm.s32 $0x14700;
	v34 =	vmul.f32 v60, v16;
	[tilespmem:s24+$0xFFFFFF00] =	vst v36;
	v19 =	vld.idx.msk [tilespmem:v19+s2+$0x0], $0xffff  }
0x161: {  	v43 =	vor.u32 v3, v28;
	[tilespmem:s25+$0xFFFFFE00] =	vst v31;
	v15 =	vmul.f32 v15, v17;
	v36 =	vld.idx.msk [tilespmem:v61+s2+$0x0], $0xffff  }
0x162: {  	v44 =	vor.u32 v3, v26;
	v33 =	vld.idx.msk [tilespmem:v62+s2+$0x0], $0xffff;
	[tilespmem:s24+$0x190] =	vst v34  }
0x163: {  	v49 =	vor.u32 v3, v21;
	v22 =	vmul.f32 v22, v23;
	[tilespmem:s24+$0xFFFFFE60] =	vst v15;
	v15 =	vld.idx.msk [tilespmem:v63+s2+$0x0], $0xffff  }
0x164: {  	v45 =	vor.u32 v4, v29;
	v31 =	vld.idx.msk [tilespmem:v14+s2+$0x0], $0xffff;
	v46 =	vmul.f32 v39, v13  }
0x165: {  	v14 =	vld.msk [tilespmem:s28+$0xFFFFFFFB ss:$0x0], $0xffff;
	[tilespmem:s24+$0x10] =	vst v22;
	v22 =	vor.u32 v4, v27;
	v50 =	vmul.f32 v40, v11  }
0x166: {  	v47 =	vor.u32 v3, v25;
	v32 =	vld.idx.msk [tilespmem:v43+s2+$0x0], $0xffff;
	v30 =	vmul.f32 v30, v20;
	[tilespmem:s24+$0xFFFFFE90] =	vst v46  }
0x167: {  	v48 =	vor.u32 v3, v10;
	v19 =	vmul.f32 v19, v18;
	v35 =	vld.idx.msk [tilespmem:v44+s2+$0x0], $0xffff;
	[tilespmem:s24+$0xFFFFFF90] =	vst v50  }
0x168: {  	v36 =	vmul.f32 v36, v12;
	[tilespmem:s24+$0x120] =	vst v30;
	v34 =	vld.idx.msk [tilespmem:v49+s2+$0x0], $0xffff  }
0x169: {  	v33 =	vmul.f32 v33, v9;
	[tilespmem:s24+$0xA0] =	vst v19;
	v19 =	vld.idx.msk [tilespmem:v45+s2+$0x0], $0xffff  }
0x16a: {  	v30 =	vor.u32 v4, v24;
	[tilespmem:s24+$0xFFFFFF10] =	vst v36;
	v22 =	vld.idx.msk [tilespmem:v22+s2+$0x0], $0xffff  }
0x16b: {  	v51 =	vor.u32 v4, v28;
	v15 =	vmul.f32 v15, v16;
	[tilespmem:s25+$0xFFFFFE10] =	vst v33;
	v52 =	vld.idx.msk [tilespmem:v47+s2+$0x0], $0xffff  }
0x16c: {  	v53 =	vor.u32 v4, v26;
	v17 =	vmul.f32 v31, v17;
	v54 =	vld.idx.msk [tilespmem:v48+s2+$0x0], $0xffff  }
0x16d: {  	v60 =	vor.u32 v4, v21;
	[tilespmem:s24+$0x1A0] =	vst v15;
	v15 =	vld.msk [tilespmem:s28+$0xFFFFFFFC ss:$0x0], $0xffff;
	v32 =	vmul.f32 v32, v23  }
0x16e: {  	v55 =	vor.u32 v5, v29;
	[tilespmem:s24+$0xFFFFFE70] =	vst v17;
	v17 =	vld [tilespmem:s26+$0xFFFFFFFF];
	v35 =	vmul.f32 v35, v13  }
0x16f: {  	v56 =	vor.u32 v5, v27;
	[tilespmem:s24+$0x20] =	vst v32;
	v30 =	vld.idx.msk [tilespmem:v30+s2+$0x0], $0xffff;
	v34 =	vmul.f32 v34, v11  }
0x170: {  	v57 =	vld.idx.msk [tilespmem:v51+s2+$0x0], $0xffff;
	v19 =	vmul.f32 v19, v20;
	[tilespmem:s24+$0xFFFFFEA0] =	vst v35  }
0x171: {  	v59 =	vor.u32 v4, v25;
	v22 =	vmul.f32 v22, v18;
	v36 =	vld.idx.msk [tilespmem:v53+s2+$0x0], $0xffff;
	[tilespmem:s24+$0xFFFFFFA0] =	vst v34  }
0x172: {  	v58 =	vor.u32 v4, v10;
	v33 =	vmul.f32 v52, v12;
	[tilespmem:s24+$0x130] =	vst v19;
	v47 =	vld.idx.msk [tilespmem:v60+s2+$0x0], $0xffff  }
0x173: {  	v62 =	vor.u32 v5, v24;
	v19 =	vmul.f32 v54, v9;
	[tilespmem:s24+$0xB0] =	vst v22;
	v22 =	vld.idx.msk [tilespmem:v55+s2+$0x0], $0xffff  }
0x174: {  	v61 =	vor.u32 v5, v28;
	[tilespmem:s24+$0xFFFFFF20] =	vst v33;
	v32 =	vld.idx.msk [tilespmem:v56+s2+$0x0], $0xffff  }
0x175: {  	v63 =	vor.u32 v5, v26;
	[tilespmem:s25+$0xFFFFFE20] =	vst v19;
	v19 =	vld.msk [tilespmem:s28+$0xFFFFFFFA ss:$0x0], $0xffff;
	v30 =	vmul.f32 v30, v16  }
0x176: {  	v35 =	vld.idx.msk [tilespmem:v59+s2+$0x0], $0xffff;
	v45 =	vmul.f32 v57, v23  }
0x177: {  	v52 =	vor.u32 v5, v21;
	v40 =	vld.idx.msk [tilespmem:v58+s2+$0x0], $0xffff;
	v36 =	vmul.f32 v36, v13;
	[tilespmem:s24+$0x1B0] =	vst v30  }
0x178: {  	v46 =	vor.u32 v6, v29;
	[tilespmem:s24+$0x30] =	vst v45;
	v49 =	vld.idx.msk [tilespmem:v62+s2+$0x0], $0xffff;
	v39 =	vmul.f32 v47, v11  }
0x179: {  	v37 =	vld.idx.msk [tilespmem:v61+s2+$0x0], $0xffff;
	v22 =	vmul.f32 v22, v20;
	[tilespmem:s24+$0xFFFFFEB0] =	vst v36  }
0x17a: {  	v48 =	vor.u32 v6, v27;
	v51 =	vld.idx.msk [tilespmem:v63+s2+$0x0], $0xffff;
	[tilespmem:s24+$0xFFFFFFB0] =	vst v39  }
0x17b: {  	v50 =	vor.u32 v5, v25;
	[tilespmem:s24+$0x140] =	vst v22;
	v22 =	vld.msk [tilespmem:s28+$0xFFFFFFFD ss:$0x0], $0xffff  }
0x17c: {  	v30 =	vmul.f32 v32, v18;
	v39 =	vld.idx.msk [tilespmem:v52+s2+$0x0], $0xffff  }
0x17d: {  	v35 =	vmul.f32 v35, v12;
	v34 =	vld.idx.msk [tilespmem:v46+s2+$0x0], $0xffff  }
0x17e: {  	v53 =	vor.u32 v6, v28;
	[tilespmem:s24+$0xC0] =	vst v30;
	v30 =	vld [tilespmem:s26+$0xFFFFFFFB]  }
0x17f: {  	v54 =	vor.u32 v6, v24;
	[tilespmem:s24+$0xFFFFFF30] =	vst v35;
	v33 =	vld.idx.msk [tilespmem:v48+s2+$0x0], $0xffff;
	v32 =	vmul.f32 v49, v16  }
0x180: {  	v55 =	vor.u32 v6, v26;
	v36 =	vld.idx.msk [tilespmem:v50+s2+$0x0], $0xffff;
	v56 =	vmul.f32 v37, v23  }
0x181: {  	v63 =	vor.u32 v6, v21;
	[tilespmem:s24+$0x1C0] =	vst v32;
	v32 =	vld [tilespmem:s26+$0xFFFFFFFC]  }
0x182: {  	v57 =	vor.u32 v7, v29;
	v38 =	vmul.f32 v51, v13;
	v51 =	vld [tilespmem:s26+$0xFFFFFFFE];
	[tilespmem:s24+$0x40] =	vst v56  }
0x183: {  	v58 =	vor.u32 v7, v27;
	v39 =	vmul.f32 v39, v11;
	v59 =	vld.idx.msk [tilespmem:v53+s2+$0x0], $0xffff  }
0x184: {  	v62 =	vor.u32 v6, v25;
	v61 =	vld.idx.msk [tilespmem:v54+s2+$0x0], $0xffff;
	v34 =	vmul.f32 v34, v20;
	[tilespmem:s24+$0xFFFFFEC0] =	vst v38  }
0x185: {  	v60 =	vmul.f32 v33, v18;
	v38 =	vld.idx.msk [tilespmem:v55+s2+$0x0], $0xffff;
	[tilespmem:s24+$0xFFFFFFC0] =	vst v39  }
0x186: {  	v48 =	vor.u32 v7, v28;
	v36 =	vmul.f32 v36, v12;
	[tilespmem:s24+$0x150] =	vst v34;
	v34 =	vld.idx.msk [tilespmem:v63+s2+$0x0], $0xffff  }
0x187: {  	v49 =	vor.u32 v7, v24;
	[tilespmem:s24+$0xD0] =	vst v60;
	v37 =	vld.idx.msk [tilespmem:v57+s2+$0x0], $0xffff  }
0x188: {  	v50 =	vor.u32 v7, v26;
	[tilespmem:s24+$0xFFFFFF40] =	vst v36;
	v35 =	vld.idx.msk [tilespmem:v58+s2+$0x0], $0xffff;
	v41 =	vmul.f32 v59, v23  }
0x189: {  	v52 =	vld.idx.msk [tilespmem:v62+s2+$0x0], $0xffff;
	v33 =	vmul.f32 v61, v16  }
0x18a: {  	v29 =	vor.u32 v8, v29;
	v57 =	vld [tilespmem:s26+$0x0];
	v38 =	vmul.f32 v38, v13;
	[tilespmem:s24+$0x50] =	vst v41  }
0x18b: {  	v27 =	vor.u32 v8, v27;
	[tilespmem:s24+$0x1D0] =	vst v33;
	v41 =	vld.idx.msk [tilespmem:v48+s2+$0x0], $0xffff  }
0x18c: {  	v55 =	vor.u32 v7, v25;
	v54 =	vld.idx.msk [tilespmem:v49+s2+$0x0], $0xffff;
	v37 =	vmul.f32 v37, v20;
	[tilespmem:s24+$0xFFFFFED0] =	vst v38  }
0x18d: {  	v31 =	vor.u32 v7, v21;
	v53 =	vmul.f32 v35, v18;
	v38 =	vld.idx.msk [tilespmem:v50+s2+$0x0], $0xffff  }
0x18e: {  	v28 =	vor.u32 v8, v28;
	v56 =	vmul.f32 v52, v12;
	v35 =	vor.u32 v8, v25;
	v25 =	vld [tilespmem:s26+$0xFFFFFFFD];
	[tilespmem:s24+$0x160] =	vst v37  }
0x18f: {  	v24 =	vor.u32 v8, v24;
	v34 =	vmul.f32 v34, v11;
	[tilespmem:s24+$0xE0] =	vst v53;
	v29 =	vld.idx.msk [tilespmem:v29+s2+$0x0], $0xffff  }
0x190: {  	[tilespmem:s24+$0xFFFFFF50] =	vst v56;
	v27 =	vld.idx.msk [tilespmem:v27+s2+$0x0], $0xffff;
	v58 =	vmul.f32 v41, v23  }
0x191: {  	v26 =	vor.u32 v8, v26;
	[tilespmem:s24+$0xFFFFFFD0] =	vst v34;
	v59 =	vld.idx.msk [tilespmem:v55+s2+$0x0], $0xffff;
	v60 =	vmul.f32 v54, v16  }
0x192: {  	v63 =	vor.u32 v5, v10;
	v62 =	vld.idx.msk [tilespmem:v31+s2+$0x0], $0xffff;
	v31 =	vmul.f32 v40, v9;
	[tilespmem:s24+$0x60] =	vst v58  }
0x193: {  	v17 =	vshll.u32 v17, v1;
	v61 =	vmul.f32 v38, v13;
	[tilespmem:s24+$0x1E0] =	vst v60;
	v28 =	vld.idx.msk [tilespmem:v28+s2+$0x0], $0xffff  }
0x194: {  	v33 =	vor.u32 v8, v21;
	v21 =	vbroadcast v17, $0x0;
	[tilespmem:s25+$0xFFFFFE30] =	vst v31;
	v38 =	vld.idx.msk [tilespmem:v24+s2+$0x0], $0xffff;
	v20 =	vmul.f32 v29, v20  }
0x195: {  	v31 =	vor.u32 v6, v10;
	v24 =	vld [tilespmem:s26+$0xFFFFFFFA];
	[tilespmem:s24+$0xFFFFFEE0] =	vst v61;
	v27 =	vmul.f32 v27, v18;
	v18 =	vshll.u32 v57, v1  }
0x196: {  	v37 =	vld.idx.msk [tilespmem:v26+s2+$0x0], $0xffff;
	v39 =	vmul.f32 v59, v12;
	v18 =	vbroadcast v18, $0x0;
	[tilespmem:s24+$0x170] =	vst v20;
	v20 =	vshll.u32 v51, v1  }
0x197: {  	v36 =	vld.idx.msk [tilespmem:v63+s2+$0x0], $0xffff;
	v40 =	vmul.f32 v62, v11;
	v29 =	vor.u32 v4, v21;
	[tilespmem:s24+$0xF0] =	vst v27;
	v20 =	vbroadcast v20, $0x0  }
0x198: {  	s23 =	sor.u32 $0x100, s23;
	s29 =	simm.s32 $0x8;
	v17 =	vld.msk [tilespmem:s28+$0xFFFFFFFE ss:$0x0], $0xffff;
	v26 =	vor.u32 v0, v21;
	[tilespmem:s24+$0xFFFFFF60] =	vst v39;
	v34 =	vor.u32 v2, v18;
	v39 =	vmul.f32 v28, v23  }
.LBB2_5:
0x199: {  	s29 =	sadd.s32 $0x8, s29;
	v32 =	vshll.u32 v32, v1;
	v41 =	vor.u32 v0, v20;
	v35 =	vld.idx.msk [tilespmem:v35+s2+$0x0], $0xffff;
	[tilespmem:s24+$0xFFFFFFE0] =	vst v40;
	v23 =	vmov v22  }
0x19a: {  	v28 =	vshll.u32 v30, v1;
	v16 =	vmul.f32 v38, v16;
	p0 =	slt.u32 s29, $0xF8;
	v22 =	vshll.u32 v24, v1;
	v30 =	vld.idx.msk [tilespmem:v33+s2+$0x0], $0xffff  }
0x19b: {  	s26 =	sadd.s32 $0x8, s26;
	v33 =	vmul.f32 v37, v13;
	v13 =	vmovc v19;
	v27 =	vbroadcast v22, $0x0;
	v22 =	vshll.u32 v25, v1;
	v24 =	vld.msk [tilespmem:s28+$0xFFFFFFFF ss:$0x0], $0xffff;
	[tilespmem:s24+$0x70] =	vst v39  }
0x19c: {  	v25 =	vbroadcast v28, $0x0;
	v19 =	vld [tilespmem:s26+$0xFFFFFFF9];
	v28 =	vbroadcast v22, $0x0;
	v22 =	vor.u32 v0, v18;
	[tilespmem:s24+$0x1F0] =	vst v16  }
0x19d: {  	v16 =	vmul.f32 v36, v9;
	v36 =	vor.u32 v0, v27;
	v37 =	vor.u32 v3, v27;
	v38 =	vld.idx.msk [tilespmem:v26+s2+$0x0], $0xffff  }
0x19e: {  	v39 =	vor.u32 v0, v25;
	v26 =	vbroadcast v32, $0x0;
	v32 =	vor.u32 v0, v28;
	v40 =	vld.idx.msk [tilespmem:v41+s2+$0x0], $0xffff;
	[tilespmem:s24+$0xFFFFFEF0] =	vst v33  }
0x19f: {  	v33 =	vmul.f32 v35, v12;
	v12 =	vmov v14;
	[tilespmem:s25+$0xFFFFFE40] =	vst v16;
	v16 =	vld.msk [tilespmem:s28+$0x0 ss:$0x0], $0xffff  }
0x1a0: {  	v30 =	vmul.f32 v30, v11;
	v11 =	vmov v15;
	v14 =	vld.idx.msk [tilespmem:v31+s2+$0x0], $0xffff;
	v31 =	vor.u32 v0, v26  }
0x1a1: {  	s28 =	sadd.s32 $0x8, s28;
	v15 =	vshll.u32 v19, v1;
	v19 =	vor.u32 v2, v21;
	v22 =	vld.idx.msk [tilespmem:v22+s2+$0x0], $0xffff;
	[tilespmem:s24+$0xFFFFFF70] =	vst v33  }
0x1a2: {  	v35 =	vor.u32 v2, v20;
	v33 =	vld.msk [tilespmem:s28+$0xFFFFFFF9 ss:$0x0], $0xffff;
	v15 =	vbroadcast v15, $0x0;
	[tilespmem:s24+$0xFFFFFFF0] =	vst v30;
	s24 =	smov.u32 s25  }
0x1a3: {  	v30 =	vld.idx.msk [tilespmem:v32+s2+$0x0], $0xffff;
	v32 =	vmul.f32 v24, v38  }
0x1a4: {  	v40 =	vmul.f32 v17, v40;
	v38 =	vor.u32 v0, v15;
	v36 =	vld.idx.msk [tilespmem:v36+s2+$0x0], $0xffff  }
0x1a5: {  	v42 =	vor.u32 v2, v25;
	v41 =	vor.u32 v7, v10;
	v31 =	vld.idx.msk [tilespmem:v31+s2+$0x0], $0xffff;
	[tilespmem:s25+$0x100] =	vst v32  }
0x1a6: {  	v43 =	vor.u32 v2, v28;
	v32 =	vor.u32 v2, v27;
	[tilespmem:s25+$0x80] =	vst v40;
	v19 =	vld.idx.msk [tilespmem:v19+s2+$0x0], $0xffff  }
0x1a7: {  	v14 =	vmul.f32 v14, v9;
	v22 =	vmul.f32 v16, v22;
	v35 =	vld.idx.msk [tilespmem:v35+s2+$0x0], $0xffff  }
0x1a8: {  	v39 =	vld.idx.msk [tilespmem:v39+s2+$0x0], $0xffff  }
0x1a9: {  	v40 =	vor.u32 v2, v26;
	v30 =	vmul.f32 v23, v30;
	v38 =	vld.idx.msk [tilespmem:v38+s2+$0x0], $0xffff;
	[tilespmem:s25+$0x180] =	vst v22  }
0x1aa: {  	v22 =	vor.u32 v3, v21;
	[tilespmem:s25+$0xFFFFFE50] =	vst v14;
	v14 =	vmul.f32 v13, v36;
	v34 =	vld.idx.msk [tilespmem:v34+s2+$0x0], $0xffff  }
0x1ab: {  	v31 =	vmul.f32 v11, v31;
	v36 =	vld.idx.msk [tilespmem:v41+s2+$0x0], $0xffff;
	[tilespmem:s25+$0x0] =	vst v30;
	v30 =	vor.u32 v3, v20  }
0x1ac: {  	v41 =	vor.u32 v2, v15;
	v19 =	vmul.f32 v19, v24;
	[tilespmem:s25+$0xFFFFFE80] =	vst v14;
	v14 =	vld.idx.msk [tilespmem:v43+s2+$0x0], $0xffff  }
0x1ad: {  	v32 =	vld.idx.msk [tilespmem:v32+s2+$0x0], $0xffff;
	[tilespmem:s25+$0xFFFFFF80] =	vst v31;
	v31 =	vmul.f32 v35, v17;
	v35 =	vor.u32 v3, v18  }
0x1ae: {  	v43 =	vor.u32 v8, v10;
	v10 =	vmov v15;
	v39 =	vmul.f32 v12, v39;
	v40 =	vld.idx.msk [tilespmem:v40+s2+$0x0], $0xffff;
	[tilespmem:s25+$0x110] =	vst v19  }
0x1af: {  	v15 =	vmul.f32 v33, v38;
	v19 =	vor.u32 v3, v25;
	[tilespmem:s25+$0x90] =	vst v31;
	v22 =	vld.idx.msk [tilespmem:v22+s2+$0x0], $0xffff  }
0x1b0: {  	v31 =	vor.u32 v3, v28;
	v34 =	vmul.f32 v34, v16;
	s25 =	sadd.s32 $0x400, s25;
	[tilespmem:s24+$0xFFFFFF00] =	vst v39;
	v30 =	vld.idx.msk [tilespmem:v30+s2+$0x0], $0xffff  }
0x1b1: {  	[tilespmem:s25+$0xFFFFFE00] =	vst v15;
	v15 =	vmul.f32 v36, v9;
	v36 =	vld.idx.msk [tilespmem:v42+s2+$0x0], $0xffff  }
0x1b2: {  	v14 =	vmul.f32 v14, v23;
	v38 =	vld.idx.msk [tilespmem:v41+s2+$0x0], $0xffff;
	[tilespmem:s24+$0x190] =	vst v34  }
0x1b3: {  	[tilespmem:s24+$0xFFFFFE60] =	vst v15;
	v15 =	vld.idx.msk [tilespmem:v35+s2+$0x0], $0xffff  }
0x1b4: {  	v32 =	vmul.f32 v32, v13;
	v35 =	vor.u32 v4, v20;
	v34 =	vld.idx.msk [tilespmem:v43+s2+$0x0], $0xffff;
	[tilespmem:s24+$0x10] =	vst v14  }
0x1b5: {  	v39 =	vmul.f32 v40, v11;
	v40 =	vor.u32 v4, v28;
	v22 =	vmul.f32 v22, v24;
	v31 =	vld.idx.msk [tilespmem:v31+s2+$0x0], $0xffff  }
0x1b6: {  	v41 =	vor.u32 v3, v10;
	v30 =	vmul.f32 v30, v17;
	v14 =	vld.msk [tilespmem:s28+$0xFFFFFFFB ss:$0x0], $0xffff;
	[tilespmem:s24+$0xFFFFFE90] =	vst v32;
	v32 =	vor.u32 v4, v18  }
0x1b7: {  	v42 =	vor.u32 v3, v26;
	v36 =	vmul.f32 v36, v12;
	v37 =	vld.idx.msk [tilespmem:v37+s2+$0x0], $0xffff;
	[tilespmem:s24+$0x120] =	vst v22  }
0x1b8: {  	v22 =	vmul.f32 v38, v33;
	v38 =	vor.u32 v4, v25;
	[tilespmem:s24+$0xA0] =	vst v30;
	v29 =	vld.idx.msk [tilespmem:v29+s2+$0x0], $0xffff  }
0x1b9: {  	v30 =	vor.u32 v4, v27;
	v15 =	vmul.f32 v15, v16;
	[tilespmem:s24+$0xFFFFFF10] =	vst v36;
	v35 =	vld.idx.msk [tilespmem:v35+s2+$0x0], $0xffff  }
0x1ba: {  	[tilespmem:s25+$0xFFFFFE10] =	vst v22;
	v22 =	vmul.f32 v34, v9;
	v19 =	vld.idx.msk [tilespmem:v19+s2+$0x0], $0xffff;
	v9 =	vmov v33  }
0x1bb: {  	v31 =	vmul.f32 v31, v23;
	v33 =	vld.idx.msk [tilespmem:v41+s2+$0x0], $0xffff;
	[tilespmem:s24+$0xFFFFFF90] =	vst v39  }
0x1bc: {  	v36 =	vor.u32 v5, v21;
	v34 =	vld.idx.msk [tilespmem:v42+s2+$0x0], $0xffff;
	[tilespmem:s24+$0x1A0] =	vst v15  }
0x1bd: {  	v37 =	vmul.f32 v37, v13;
	[tilespmem:s24+$0x20] =	vst v31;
	v31 =	vor.u32 v5, v20;
	v32 =	vld.idx.msk [tilespmem:v32+s2+$0x0], $0xffff  }
0x1be: {  	v29 =	vmul.f32 v29, v24;
	[tilespmem:s24+$0xFFFFFE70] =	vst v22;
	v22 =	vld.idx.msk [tilespmem:v40+s2+$0x0], $0xffff  }
0x1bf: {  	v39 =	vor.u32 v4, v10;
	v35 =	vmul.f32 v35, v17;
	v15 =	vld.msk [tilespmem:s28+$0xFFFFFFFC ss:$0x0], $0xffff;
	[tilespmem:s24+$0xFFFFFEA0] =	vst v37  }
0x1c0: {  	v40 =	vor.u32 v4, v26;
	v37 =	vor.u32 v5, v25;
	v30 =	vld.idx.msk [tilespmem:v30+s2+$0x0], $0xffff;
	[tilespmem:s24+$0x130] =	vst v29  }
0x1c1: {  	v29 =	vmul.f32 v33, v9;
	v33 =	vor.u32 v5, v27;
	[tilespmem:s24+$0xB0] =	vst v35;
	v35 =	vld.idx.msk [tilespmem:v36+s2+$0x0], $0xffff  }
0x1c2: {  	v41 =	vor.u32 v5, v28;
	v36 =	vmul.f32 v19, v12;
	v34 =	vmul.f32 v34, v11;
	v31 =	vld.idx.msk [tilespmem:v31+s2+$0x0], $0xffff  }
0x1c3: {  	[tilespmem:s25+$0xFFFFFE20] =	vst v29;
	v19 =	vld.msk [tilespmem:s28+$0xFFFFFFFA ss:$0x0], $0xffff;
	v29 =	vmul.f32 v32, v16;
	v32 =	vor.u32 v5, v18  }
0x1c4: {  	v22 =	vmul.f32 v22, v23;
	v39 =	vld.idx.msk [tilespmem:v39+s2+$0x0], $0xffff;
	[tilespmem:s24+$0xFFFFFF20] =	vst v36  }
0x1c5: {  	v36 =	vld.idx.msk [tilespmem:v38+s2+$0x0], $0xffff;
	[tilespmem:s24+$0xFFFFFFA0] =	vst v34;
	v34 =	vor.u32 v6, v21  }
0x1c6: {  	v30 =	vmul.f32 v30, v13;
	v38 =	vld.idx.msk [tilespmem:v40+s2+$0x0], $0xffff;
	[tilespmem:s24+$0x30] =	vst v22;
	v22 =	vor.u32 v6, v20  }
0x1c7: {  	v35 =	vmul.f32 v35, v24;
	v40 =	vld.idx.msk [tilespmem:v41+s2+$0x0], $0xffff;
	[tilespmem:s24+$0x1B0] =	vst v29  }
0x1c8: {  	v29 =	vmul.f32 v31, v17;
	[tilespmem:s24+$0xFFFFFEB0] =	vst v30;
	v31 =	vld.idx.msk [tilespmem:v32+s2+$0x0], $0xffff  }
0x1c9: {  	v32 =	vld.idx.msk [tilespmem:v33+s2+$0x0], $0xffff;
	v33 =	vor.u32 v5, v26;
	[tilespmem:s24+$0x140] =	vst v35  }
0x1ca: {  	v30 =	vmul.f32 v39, v9;
	v35 =	vor.u32 v6, v28;
	[tilespmem:s24+$0xC0] =	vst v29;
	v29 =	vld.idx.msk [tilespmem:v34+s2+$0x0], $0xffff  }
0x1cb: {  	v34 =	vmul.f32 v36, v12;
	v36 =	vld.idx.msk [tilespmem:v22+s2+$0x0], $0xffff  }
0x1cc: {  	v41 =	vor.u32 v6, v18;
	v39 =	vor.u32 v6, v27;
	v38 =	vmul.f32 v38, v11;
	[tilespmem:s25+$0xFFFFFE30] =	vst v30;
	v22 =	vld.msk [tilespmem:s28+$0xFFFFFFFD ss:$0x0], $0xffff  }
0x1cd: {  	v30 =	vld [tilespmem:s26+$0xFFFFFFFB];
	[tilespmem:s24+$0xFFFFFF30] =	vst v34;
	v34 =	vmul.f32 v40, v23  }
0x1ce: {  	v31 =	vmul.f32 v31, v16;
	v37 =	vld.idx.msk [tilespmem:v37+s2+$0x0], $0xffff;
	[tilespmem:s24+$0xFFFFFFB0] =	vst v38;
	v38 =	vor.u32 v7, v21  }
0x1cf: {  	v32 =	vmul.f32 v32, v13;
	v33 =	vld.idx.msk [tilespmem:v33+s2+$0x0], $0xffff;
	[tilespmem:s24+$0x40] =	vst v34;
	v34 =	vor.u32 v7, v20  }
0x1d0: {  	v29 =	vmul.f32 v29, v24;
	v35 =	vld.idx.msk [tilespmem:v35+s2+$0x0], $0xffff;
	[tilespmem:s24+$0x1C0] =	vst v31  }
0x1d1: {  	v31 =	vmul.f32 v36, v17;
	[tilespmem:s24+$0xFFFFFEC0] =	vst v32;
	v36 =	vld.idx.msk [tilespmem:v41+s2+$0x0], $0xffff  }
0x1d2: {  	v40 =	vor.u32 v6, v25;
	v41 =	vor.u32 v6, v26;
	v39 =	vld.idx.msk [tilespmem:v39+s2+$0x0], $0xffff;
	[tilespmem:s24+$0x150] =	vst v29  }
0x1d3: {  	v29 =	vor.u32 v7, v28;
	[tilespmem:s24+$0xD0] =	vst v31;
	v31 =	vld.idx.msk [tilespmem:v38+s2+$0x0], $0xffff  }
0x1d4: {  	v37 =	vmul.f32 v37, v12;
	v34 =	vld.idx.msk [tilespmem:v34+s2+$0x0], $0xffff  }
0x1d5: {  	v42 =	vor.u32 v7, v18;
	v38 =	vor.u32 v7, v27;
	v33 =	vmul.f32 v33, v11;
	v32 =	vld [tilespmem:s26+$0xFFFFFFFC]  }
0x1d6: {  	v35 =	vmul.f32 v35, v23;
	v43 =	vld [tilespmem:s26+$0xFFFFFFFE];
	[tilespmem:s24+$0xFFFFFF40] =	vst v37  }
0x1d7: {  	v21 =	vor.u32 v8, v21;
	v37 =	vld.idx.msk [tilespmem:v40+s2+$0x0], $0xffff;
	[tilespmem:s24+$0xFFFFFFC0] =	vst v33;
	v33 =	vmul.f32 v36, v16  }
0x1d8: {  	v20 =	vor.u32 v8, v20;
	v36 =	vmul.f32 v39, v13;
	v39 =	vld.idx.msk [tilespmem:v41+s2+$0x0], $0xffff;
	[tilespmem:s24+$0x50] =	vst v35  }
0x1d9: {  	v31 =	vmul.f32 v31, v24;
	v29 =	vld.idx.msk [tilespmem:v29+s2+$0x0], $0xffff;
	[tilespmem:s24+$0x1D0] =	vst v33  }
0x1da: {  	v33 =	vmul.f32 v34, v17;
	[tilespmem:s24+$0xFFFFFED0] =	vst v36;
	v34 =	vld.idx.msk [tilespmem:v42+s2+$0x0], $0xffff  }
0x1db: {  	v36 =	vor.u32 v7, v25;
	v35 =	vld.idx.msk [tilespmem:v38+s2+$0x0], $0xffff;
	v38 =	vor.u32 v7, v26;
	[tilespmem:s24+$0x160] =	vst v31  }
0x1dc: {  	v28 =	vor.u32 v8, v28;
	[tilespmem:s24+$0xE0] =	vst v33;
	v21 =	vld.idx.msk [tilespmem:v21+s2+$0x0], $0xffff  }
0x1dd: {  	v31 =	vmul.f32 v37, v12;
	v20 =	vld.idx.msk [tilespmem:v20+s2+$0x0], $0xffff  }
0x1de: {  	v18 =	vor.u32 v8, v18;
	v27 =	vor.u32 v8, v27;
	v33 =	vmul.f32 v39, v11;
	v40 =	vld [tilespmem:s26+$0xFFFFFFFF]  }
0x1df: {  	v29 =	vmul.f32 v29, v23;
	v37 =	vld [tilespmem:s26+$0x0];
	[tilespmem:s24+$0xFFFFFF50] =	vst v31  }
0x1e0: {  	v31 =	vmul.f32 v34, v16;
	v36 =	vld.idx.msk [tilespmem:v36+s2+$0x0], $0xffff;
	[tilespmem:s24+$0xFFFFFFD0] =	vst v33  }
0x1e1: {  	v33 =	vmul.f32 v35, v13;
	v39 =	vld.idx.msk [tilespmem:v38+s2+$0x0], $0xffff;
	[tilespmem:s24+$0x60] =	vst v29  }
0x1e2: {  	v29 =	vor.u32 v5, v10;
	v21 =	vmul.f32 v21, v24;
	v28 =	vld.idx.msk [tilespmem:v28+s2+$0x0], $0xffff;
	[tilespmem:s24+$0x1E0] =	vst v31  }
0x1e3: {  	v35 =	vor.u32 v8, v25;
	v17 =	vmul.f32 v20, v17;
	[tilespmem:s24+$0xFFFFFEE0] =	vst v33;
	v38 =	vld.idx.msk [tilespmem:v18+s2+$0x0], $0xffff  }
.Ltmp1:
0x1e4: {  	v33 =	vor.u32 v8, v26;
	v18 =	vshll.u32 v37, v1;
	v37 =	vld.idx.msk [tilespmem:v27+s2+$0x0], $0xffff;
	[tilespmem:s24+$0x170] =	vst v21;
	(pc) =	sbr.rel @p0 .LBB2_5-.Ltmp1, $4  }
0x1e5: {  	v31 =	vor.u32 v6, v10;
	v20 =	vshll.u32 v40, v1;
	v24 =	vld [tilespmem:s26+$0xFFFFFFFA];
	v18 =	vbroadcast v18, $0x0;
	[tilespmem:s24+$0xF0] =	vst v17  }
0x1e6: {  	v21 =	vbroadcast v20, $0x0;
	v17 =	vshll.u32 v43, v1;
	v27 =	vmul.f32 v36, v12;
	v25 =	vld [tilespmem:s26+$0xFFFFFFFD]  }
0x1e7: {  	v20 =	vbroadcast v17, $0x0;
	v40 =	vmul.f32 v39, v11;
	v36 =	vld.idx.msk [tilespmem:v29+s2+$0x0], $0xffff;
	v34 =	vor.u32 v2, v18  }
0x1e8: {  	v26 =	vor.u32 v0, v21;
	v29 =	vor.u32 v4, v21;
	v39 =	vmul.f32 v28, v23;
	v17 =	vld.msk [tilespmem:s28+$0xFFFFFFFE ss:$0x0], $0xffff;
	[tilespmem:s24+$0xFFFFFF60] =	vst v27  }
0x1e9: {  	_ = 	snop  }
0x1ea: {  	v41 =	vor.u32 v0, v20;
	v46 =	vshll.u32 v24, v1  }
0x1eb: {  	v23 =	vshll.u32 v25, v1;
	v27 =	vbroadcast v46, $0x0  }
0x1ec: {  	v47 =	vshll.u32 v30, v1;
	v50 =	vor.u32 v0, v18;
	v28 =	vbroadcast v23, $0x0  }
0x1ed: {  	v49 =	vshll.u32 v32, v1;
	v43 =	vld.idx.msk [tilespmem:v26+s2+$0x0], $0xffff;
	v25 =	vbroadcast v47, $0x0;
	v42 =	vor.u32 v0, v27  }
0x1ee: {  	v24 =	vld.msk [tilespmem:s28+$0xFFFFFFFF ss:$0x0], $0xffff;
	v26 =	vbroadcast v49, $0x0;
	v48 =	vor.u32 v0, v28  }
0x1ef: {  	v44 =	vor.u32 v0, v25;
	v41 =	vld.idx.msk [tilespmem:v41+s2+$0x0], $0xffff  }
0x1f0: {  	v23 =	vld.msk [tilespmem:s28+$0x0 ss:$0x0], $0xffff;
	v45 =	vor.u32 v0, v26  }
0x1f1: {  	[tilespmem:s24+$0xFFFFFFE0] =	vst v40;
	v16 =	vmul.f32 v38, v16;
	v46 =	vor.u32 v2, v21;
	v32 =	vld.idx.msk [tilespmem:v50+s2+$0x0], $0xffff  }
0x1f2: {  	v51 =	vor.u32 v2, v20;
	v13 =	vmul.f32 v37, v13;
	[tilespmem:s24+$0x70] =	vst v39;
	v52 =	vld.idx.msk [tilespmem:v42+s2+$0x0], $0xffff  }
0x1f3: {  	[tilespmem:s24+$0x1F0] =	vst v16;
	v53 =	vmul.f32 v24, v43;
	v30 =	vld.idx.msk [tilespmem:v48+s2+$0x0], $0xffff  }
0x1f4: {  	[tilespmem:s24+$0xFFFFFEF0] =	vst v13;
	v55 =	vld.idx.msk [tilespmem:v44+s2+$0x0], $0xffff;
	v56 =	vmul.f32 v17, v41  }
0x1f5: {  	v36 =	vmul.f32 v36, v9;
	v58 =	vor.u32 v2, v27;
	v57 =	vld.idx.msk [tilespmem:v45+s2+$0x0], $0xffff;
	[tilespmem:s25+$0x100] =	vst v53  }
0x1f6: {  	v54 =	vor.u32 v2, v28;
	v60 =	vld.idx.msk [tilespmem:v46+s2+$0x0], $0xffff;
	v32 =	vmul.f32 v23, v32;
	[tilespmem:s25+$0x80] =	vst v56  }
0x1f7: {  	v59 =	vor.u32 v2, v25;
	[tilespmem:s25+$0xFFFFFE40] =	vst v36;
	v38 =	vld.idx.msk [tilespmem:v51+s2+$0x0], $0xffff;
	v40 =	vmul.f32 v19, v52  }
0x1f8: {  	v35 =	vld.idx.msk [tilespmem:v35+s2+$0x0], $0xffff;
	v61 =	vor.u32 v2, v26;
	[tilespmem:s25+$0x180] =	vst v32;
	v30 =	vmul.f32 v22, v30  }
0x1f9: {  	v45 =	vor.u32 v3, v21;
	v34 =	vld.idx.msk [tilespmem:v34+s2+$0x0], $0xffff;
	v63 =	vmul.f32 v14, v55;
	[tilespmem:s25+$0xFFFFFE80] =	vst v40  }
0x1fa: {  	v46 =	vor.u32 v3, v20;
	v41 =	vmul.f32 v15, v57;
	[tilespmem:s25+$0x0] =	vst v30;
	v39 =	vld.idx.msk [tilespmem:v58+s2+$0x0], $0xffff  }
0x1fb: {  	v47 =	vmul.f32 v60, v24;
	[tilespmem:s25+$0xFFFFFF00] =	vst v63;
	v62 =	vld.idx.msk [tilespmem:v54+s2+$0x0], $0xffff  }
0x1fc: {  	v50 =	vor.u32 v3, v18;
	[tilespmem:s25+$0xFFFFFF80] =	vst v41;
	v16 =	vld.idx.msk [tilespmem:v59+s2+$0x0], $0xffff;
	v49 =	vmul.f32 v38, v17  }
0x1fd: {  	v12 =	vmul.f32 v35, v12;
	v51 =	vor.u32 v3, v27;
	[tilespmem:s25+$0x110] =	vst v47;
	v30 =	vld.idx.msk [tilespmem:v61+s2+$0x0], $0xffff  }
0x1fe: {  	v48 =	vor.u32 v3, v28;
	v40 =	vld.idx.msk [tilespmem:v45+s2+$0x0], $0xffff;
	v34 =	vmul.f32 v34, v23;
	[tilespmem:s25+$0x90] =	vst v49  }
0x1ff: {  	[tilespmem:s24+$0xFFFFFF70] =	vst v12;
	v52 =	vor.u32 v3, v25;
	v37 =	vld.idx.msk [tilespmem:v46+s2+$0x0], $0xffff;
	v39 =	vmul.f32 v39, v19  }
0x200: {  	v33 =	vld.idx.msk [tilespmem:v33+s2+$0x0], $0xffff;
	v53 =	vor.u32 v3, v26;
	[tilespmem:s25+$0x190] =	vst v34;
	v32 =	vmul.f32 v62, v22  }
0x201: {  	v38 =	vld.idx.msk [tilespmem:v50+s2+$0x0], $0xffff;
	v16 =	vmul.f32 v16, v14;
	[tilespmem:s25+$0xFFFFFE90] =	vst v39  }
0x202: {  	v55 =	vor.u32 v4, v20;
	v30 =	vmul.f32 v30, v15;
	[tilespmem:s25+$0x10] =	vst v32;
	v39 =	vld.idx.msk [tilespmem:v51+s2+$0x0], $0xffff  }
0x203: {  	v40 =	vmul.f32 v40, v24;
	[tilespmem:s25+$0xFFFFFF10] =	vst v16;
	v54 =	vld.idx.msk [tilespmem:v48+s2+$0x0], $0xffff  }
0x204: {  	v58 =	vor.u32 v4, v18;
	[tilespmem:s25+$0xFFFFFF90] =	vst v30;
	v13 =	vld.idx.msk [tilespmem:v52+s2+$0x0], $0xffff;
	v57 =	vmul.f32 v37, v17  }
0x205: {  	v11 =	vmul.f32 v33, v11;
	v59 =	vor.u32 v4, v27;
	[tilespmem:s25+$0x120] =	vst v40;
	v32 =	vld.idx.msk [tilespmem:v53+s2+$0x0], $0xffff  }
0x206: {  	v56 =	vor.u32 v4, v28;
	v29 =	vld.idx.msk [tilespmem:v29+s2+$0x0], $0xffff;
	v38 =	vmul.f32 v38, v23;
	[tilespmem:s25+$0xA0] =	vst v57  }
0x207: {  	[tilespmem:s24+$0xFFFFFFF0] =	vst v11;
	v60 =	vor.u32 v4, v25;
	v16 =	vld.idx.msk [tilespmem:v55+s2+$0x0], $0xffff;
	v39 =	vmul.f32 v39, v19  }
0x208: {  	v31 =	vld.idx.msk [tilespmem:v31+s2+$0x0], $0xffff;
	v61 =	vor.u32 v4, v26;
	[tilespmem:s25+$0x1A0] =	vst v38;
	v34 =	vmul.f32 v54, v22  }
0x209: {  	v62 =	vor.u32 v5, v21;
	v37 =	vld.idx.msk [tilespmem:v58+s2+$0x0], $0xffff;
	v13 =	vmul.f32 v13, v14;
	[tilespmem:s25+$0xFFFFFEA0] =	vst v39  }
0x20a: {  	v63 =	vor.u32 v5, v20;
	v32 =	vmul.f32 v32, v15;
	[tilespmem:s25+$0x20] =	vst v34;
	v39 =	vld.idx.msk [tilespmem:v59+s2+$0x0], $0xffff  }
0x20b: {  	v58 =	vor.u32 v7, v10;
	v42 =	vmul.f32 v29, v24;
	[tilespmem:s25+$0xFFFFFF20] =	vst v13;
	v30 =	vld.idx.msk [tilespmem:v56+s2+$0x0], $0xffff  }
0x20c: {  	v45 =	vor.u32 v5, v18;
	[tilespmem:s25+$0xFFFFFFA0] =	vst v32;
	v36 =	vld.idx.msk [tilespmem:v60+s2+$0x0], $0xffff;
	v44 =	vmul.f32 v16, v17  }
0x20d: {  	v31 =	vmul.f32 v31, v9;
	v46 =	vor.u32 v5, v27;
	[tilespmem:s25+$0x130] =	vst v42;
	v32 =	vld.idx.msk [tilespmem:v61+s2+$0x0], $0xffff  }
0x20e: {  	v43 =	vor.u32 v5, v28;
	v48 =	vld.idx.msk [tilespmem:v62+s2+$0x0], $0xffff;
	v37 =	vmul.f32 v37, v23;
	[tilespmem:s25+$0xB0] =	vst v44  }
0x20f: {  	[tilespmem:s25+$0xFFFFFE50] =	vst v31;
	v47 =	vor.u32 v5, v25;
	v35 =	vld.idx.msk [tilespmem:v63+s2+$0x0], $0xffff;
	v49 =	vmul.f32 v39, v19  }
0x210: {  	v50 =	vor.u32 v5, v26;
	v42 =	vld.idx.msk [tilespmem:v58+s2+$0x0], $0xffff;
	[tilespmem:s25+$0x1B0] =	vst v37;
	v30 =	vmul.f32 v30, v22  }
0x211: {  	v51 =	vor.u32 v6, v21;
	v16 =	vld.idx.msk [tilespmem:v45+s2+$0x0], $0xffff;
	v36 =	vmul.f32 v36, v14;
	[tilespmem:s25+$0xFFFFFEB0] =	vst v49  }
0x212: {  	v52 =	vor.u32 v6, v20;
	v32 =	vmul.f32 v32, v15;
	[tilespmem:s25+$0x30] =	vst v30;
	v13 =	vld.idx.msk [tilespmem:v46+s2+$0x0], $0xffff  }
0x213: {  	v12 =	vmul.f32 v48, v24;
	[tilespmem:s25+$0xFFFFFF30] =	vst v36;
	v29 =	vld.idx.msk [tilespmem:v43+s2+$0x0], $0xffff  }
0x214: {  	v54 =	vor.u32 v6, v18;
	[tilespmem:s25+$0xFFFFFFB0] =	vst v32;
	v34 =	vld.idx.msk [tilespmem:v47+s2+$0x0], $0xffff;
	v11 =	vmul.f32 v35, v17  }
0x215: {  	v55 =	vor.u32 v6, v27;
	[tilespmem:s25+$0x140] =	vst v12;
	v49 =	vmul.f32 v42, v9;
	v30 =	vld.idx.msk [tilespmem:v50+s2+$0x0], $0xffff  }
0x216: {  	v53 =	vor.u32 v6, v28;
	v16 =	vmul.f32 v16, v23;
	[tilespmem:s25+$0xC0] =	vst v11;
	v11 =	vld.idx.msk [tilespmem:v51+s2+$0x0], $0xffff  }
0x217: {  	v56 =	vor.u32 v6, v25;
	[tilespmem:s25+$0xFFFFFE60] =	vst v49;
	v33 =	vld.idx.msk [tilespmem:v52+s2+$0x0], $0xffff;
	v13 =	vmul.f32 v13, v19  }
0x218: {  	v57 =	vor.u32 v6, v26;
	[tilespmem:s25+$0x1C0] =	vst v16;
	v29 =	vmul.f32 v29, v22  }
0x219: {  	v10 =	vor.u32 v8, v10;
	v61 =	vld.idx.msk [tilespmem:v54+s2+$0x0], $0xffff;
	v59 =	vmul.f32 v34, v14;
	[tilespmem:s25+$0xFFFFFEC0] =	vst v13  }
0x21a: {  	v62 =	vor.u32 v7, v20;
	v30 =	vmul.f32 v30, v15;
	[tilespmem:s25+$0x40] =	vst v29;
	v12 =	vld.idx.msk [tilespmem:v55+s2+$0x0], $0xffff  }
0x21b: {  	v60 =	vor.u32 v7, v21;
	[tilespmem:s25+$0xFFFFFF40] =	vst v59;
	v11 =	vmul.f32 v11, v24;
	v36 =	vld.idx.msk [tilespmem:v53+s2+$0x0], $0xffff  }
0x21c: {  	v41 =	vor.u32 v7, v18;
	[tilespmem:s25+$0xFFFFFFC0] =	vst v30;
	v35 =	vld.idx.msk [tilespmem:v56+s2+$0x0], $0xffff;
	v40 =	vmul.f32 v33, v17  }
0x21d: {  	v29 =	vld.idx.msk [tilespmem:v57+s2+$0x0], $0xffff;
	[tilespmem:s25+$0x150] =	vst v11;
	v11 =	vor.u32 v7, v27  }
0x21e: {  	v63 =	vor.u32 v7, v28;
	v10 =	vld.idx.msk [tilespmem:v10+s2+$0x0], $0xffff;
	v13 =	vmul.f32 v61, v23;
	[tilespmem:s25+$0xD0] =	vst v40  }
0x21f: {  	v44 =	vor.u32 v7, v25;
	v32 =	vld.idx.msk [tilespmem:v62+s2+$0x0], $0xffff;
	v12 =	vmul.f32 v12, v19  }
0x220: {  	v45 =	vor.u32 v7, v26;
	v43 =	vld.idx.msk [tilespmem:v60+s2+$0x0], $0xffff;
	[tilespmem:s25+$0x1D0] =	vst v13;
	v36 =	vmul.f32 v36, v22  }
0x221: {  	v48 =	vld.idx.msk [tilespmem:v41+s2+$0x0], $0xffff;
	v46 =	vmul.f32 v35, v14;
	[tilespmem:s25+$0xFFFFFED0] =	vst v12  }
0x222: {  	v50 =	vor.u32 v8, v20;
	v29 =	vmul.f32 v29, v15;
	[tilespmem:s25+$0x50] =	vst v36;
	v11 =	vld.idx.msk [tilespmem:v11+s2+$0x0], $0xffff  }
0x223: {  	v47 =	vor.u32 v8, v21;
	v9 =	vmul.f32 v10, v9;
	[tilespmem:s25+$0xFFFFFF50] =	vst v46;
	v16 =	vld.idx.msk [tilespmem:v63+s2+$0x0], $0xffff  }
0x224: {  	v54 =	vor.u32 v8, v18;
	[tilespmem:s25+$0xFFFFFFD0] =	vst v29;
	v52 =	vld.idx.msk [tilespmem:v44+s2+$0x0], $0xffff;
	v53 =	vmul.f32 v32, v17  }
0x225: {  	v56 =	vor.u32 v8, v27;
	[tilespmem:s25+$0xFFFFFE70] =	vst v9;
	v51 =	vmul.f32 v43, v24;
	v55 =	vld.idx.msk [tilespmem:v45+s2+$0x0], $0xffff  }
0x226: {  	v28 =	vor.u32 v8, v28;
	v12 =	vmul.f32 v48, v23;
	[tilespmem:s25+$0xE0] =	vst v53  }
0x227: {  	v25 =	vor.u32 v8, v25;
	[tilespmem:s25+$0x160] =	vst v51;
	v20 =	vld.idx.msk [tilespmem:v50+s2+$0x0], $0xffff;
	v11 =	vmul.f32 v11, v19  }
0x228: {  	v57 =	vor.u32 v8, v26;
	v21 =	vld.idx.msk [tilespmem:v47+s2+$0x0], $0xffff;
	[tilespmem:s25+$0x1E0] =	vst v12;
	v16 =	vmul.f32 v16, v22  }
0x229: {  	v59 =	vmul.f32 v52, v14;
	[tilespmem:s25+$0xFFFFFEE0] =	vst v11;
	v11 =	vld.idx.msk [tilespmem:v54+s2+$0x0], $0xffff  }
0x22a: {  	v60 =	vmul.f32 v55, v15;
	[tilespmem:s25+$0x60] =	vst v16;
	v10 =	vld.idx.msk [tilespmem:v56+s2+$0x0], $0xffff  }
0x22b: {  	[tilespmem:s25+$0xFFFFFF60] =	vst v59;
	v58 =	vld.idx.msk [tilespmem:v28+s2+$0x0], $0xffff  }
0x22c: {  	[tilespmem:s25+$0xFFFFFFE0] =	vst v60;
	v62 =	vld.idx.msk [tilespmem:v25+s2+$0x0], $0xffff;
	v9 =	vmul.f32 v20, v17  }
0x22d: {  	v61 =	vmul.f32 v21, v24;
	v16 =	vld.idx.msk [tilespmem:v57+s2+$0x0], $0xffff  }
0x22e: {  	[tilespmem:s25+$0xF0] =	vst v9;
	v9 =	vmul.f32 v11, v23  }
0x22f: {  	s22 =	sadd.s32 $0x1, s22;
	[tilespmem:s25+$0x170] =	vst v61;
	v10 =	vmul.f32 v10, v19  }
0x230: {  	p0 =	sne.s32 s22, $0x10;
	v63 =	vmul.f32 v58, v22;
	[tilespmem:s25+$0x1F0] =	vst v9  }
.Ltmp2:
0x231: {  	v9 =	vmul.f32 v62, v14;
	[tilespmem:s25+$0xFFFFFEF0] =	vst v10;
	(pc) =	sbr.rel @p0 .LBB2_2-.Ltmp2, $4  }
0x232: {  	v10 =	vmul.f32 v16, v15;
	[tilespmem:s25+$0x70] =	vst v63  }
0x233: {  	s23 =	sshll.u32 s23, $0x4;
	s18 =	sadd.s32 $0x200, s18;
	s19 =	sadd.s32 $0x200, s19;
	[tilespmem:s25+$0xFFFFFF70] =	vst v9  }
0x234: {  	s20 =	sadd.s32 $0x200, s20;
	s21 =	sadd.s32 $0x200, s21;
	s23 =	sadd.s32 s23, s6;
	[tilespmem:s25+$0xFFFFFFF0] =	vst v10  }
0x235: {  	[hbm4b:s23+s2] =	stream.linear.scatter [tilespmem:s14], [sflag:$0x2], $0x8000, $0x38;
	[tilespmem:$0x1C100] =	vst v63  }
0x236: {  	s17 =	sadd.s32 $0x1, s17  }
0x237: {  	_ =	swait.ge [sflag:s15], $0x8000;
	p0 =	sne.s32 s17, s7  }
.Ltmp3:
0x238: {  	[sflag:s15] =	ssyncset.done $0x0;
	(pc) =	sbr.rel @p0 .LBB2_1-.Ltmp3, $4  }
0x239: {  	[sflag:s15] =	ssyncadd.s32 $0xFFFF8000  }
0x23a: {  	_ =	swait.ge [sflag:s16], $0x8000  }
0x23b: {  	[sflag:s16] =	ssyncset.done $0x0  }
0x23c: {  	[sflag:s16] =	ssyncadd.s32 $0xFFFF8000  }
0x23d: {  	_ =	sfence.sel $0x180000  }
0x23e: {  	[bflag:$0x0] =	sbarrier.arrive $0xFFFF  }
0x23f: {  	p0 =	sne.s32 s1, $0x0;
	_ =	strace $0x90000047  }
0x240: {  	s0 =	sadd.s32 @!p0 $0x100000, s0;
	[bflag:$0x2] =	sbarrier.arrive $0xFFFF  }
0x241: {  	[sflag:s0] =	ssyncadd.tile.s32 @!p0 $0x1;
	_ =	shalt  }
.Lfunc_end2:
_tile_overlayer_lowered:
.L_overlay_start_2:
0x242: {  	(tag) =	ssettag $0x2  }
0x243: {  	s0 =	rddreg [dreg:$0x0];
	s2 =	stileid.u32  }
0x244: {  	s1 =	rddreg [dreg:$0x1];
	p0 =	sne.s32 s2, $0x0  }
0x245: {  	s3 =	rddreg [dreg:$0x2];
	[bflag:$0x3] =	sbarrier.arrive $0xFFFF;
	s2 =	simm.s32 @!p0 $0x1C03  }
0x246: {  	[timem:s3], [sflag:s2] =	dma.local @!p0 [hbm:s0], s1  }
0x247: {  	s0 =	simm.s32 @!p0 $0x3  }
0x248: {  	_ =	swait.ge @!p0 [sflag:s0], s1  }
0x249: {  	s1 =	ssub.s32 @!p0 $0x0, s1;
	[sflag:s0] =	ssyncset.done @!p0 $0x0  }
0x24a: {  	[sflag:s0] =	ssyncadd.s32 @!p0 s1  }
0x24b: {  	[bflag:$0x3] =	sbarrier.arrive $0xFFFF  }
0x24c: {  	_ =	shalt  }

</sc_bundles>
